<compile_context>
chip_gen: v7x
topology: tpu7x:2x2x1
jax: 0.10.2.dev20260603
libtpu: 0.0.44.dev20260713+nightly
codegen_flags: <defaults>
</compile_context>

<pallas_src>
import functools

import jax
import jax.numpy as jnp
from jax import lax
from jax.experimental import pallas as pl
from jax.experimental.pallas import tpu as pltpu
from jax.experimental.pallas import tpu_sc as plsc

N_FACTORS = 32
BATCH = 16384
NC = 2
NS = 16
L = 16
NW = NC * NS
B_PER_W = BATCH // NW
IDX_CHUNK = 128
N_CHUNKS = B_PER_W // IDX_CHUNK


def _body(user_hbm, item_hbm, uf_hbm, if_hbm, out_hbm,
          uidx_v, iidx_v, urows_v, irows_v, out_v, sem):
    wid = lax.axis_index("s") * NC + lax.axis_index("c")
    base = wid * B_PER_W

    for j in range(N_CHUNKS):
        hsl = pl.ds(base + j * IDX_CHUNK, IDX_CHUNK)
        pltpu.sync_copy(user_hbm.at[hsl], uidx_v.at[j])
        pltpu.sync_copy(item_hbm.at[hsl], iidx_v.at[j])

    for j in range(N_CHUNKS):
        for i in range(IDX_CHUNK // L):
            sl = (j, pl.ds(i * L, L))
            uidx_v[sl] = uidx_v[sl] - 1
            iidx_v[sl] = iidx_v[sl] - 1

    copies = []
    for j in range(N_CHUNKS):
        rsl = pl.ds(j * IDX_CHUNK, IDX_CHUNK)
        copies.append(pltpu.async_copy(uf_hbm.at[uidx_v.at[j]],
                                       urows_v.at[rsl], sem))
        copies.append(pltpu.async_copy(if_hbm.at[iidx_v.at[j]],
                                       irows_v.at[rsl], sem))
    for c in copies:
        c.wait()

    lanes = lax.iota(jnp.int32, L)

    def group(g, carry):
        rows = g * L + lanes
        acc = jnp.zeros((L,), jnp.float32)
        for d in range(N_FACTORS):
            dcol = jnp.full((L,), d, jnp.int32)
            uv = plsc.load_gather(urows_v, [rows, dcol])
            iv = plsc.load_gather(irows_v, [rows, dcol])
            acc = acc + uv * iv
        out_v[pl.ds(g * L, L)] = acc * 5.0
        return carry

    lax.fori_loop(0, B_PER_W // L, group, 0)

    pltpu.sync_copy(out_v.at[...], out_hbm.at[pl.ds(base, B_PER_W)])


@jax.jit
def _mf_forward(user, item, user_factors, item_factors):
    mesh = plsc.VectorSubcoreMesh(core_axis_name="c", subcore_axis_name="s")
    f = pl.kernel(
        _body,
        mesh=mesh,
        out_type=jax.ShapeDtypeStruct((BATCH,), jnp.float32),
        scratch_types=[
            pltpu.VMEM((N_CHUNKS, IDX_CHUNK), jnp.int32),
            pltpu.VMEM((N_CHUNKS, IDX_CHUNK), jnp.int32),
            pltpu.VMEM((B_PER_W, N_FACTORS), jnp.float32),
            pltpu.VMEM((B_PER_W, N_FACTORS), jnp.float32),
            pltpu.VMEM((B_PER_W,), jnp.float32),
            pltpu.SemaphoreType.DMA,
        ],
        compiler_params=pltpu.CompilerParams(
            needs_layout_passes=False, use_tc_tiling_on_sc=False),
    )
    return f(user, item, user_factors, item_factors)


def kernel(user, item, user_factors, item_factors):
    return _mf_forward(user, item, user_factors, item_factors)

# --- scband reference (transcript-rebuilt; emitter-appended) ---
"""Pipeline reference for scband-matrixfactorization-75797582840576 (READ-ONLY COPY).

The authoritative reference and input builder live on the scoring server;
editing this copy changes nothing except your own understanding.
"""

import jax, jax.numpy as jnp
import numpy as np

N_USERS = 1000000
N_ITEMS = 1000000
N_FACTORS = 32
BATCH = 16384

def setup_inputs(seed: int = 0) -> dict:
    key = jax.random.key(seed)
    k1, k2, k3, k4 = jax.random.split(key, 4)
    # indices are 1-based in the original module (it subtracts 1)
    user = jax.random.randint(k1, (BATCH,), 1, N_USERS + 1, dtype=jnp.int64 if jax.config.jax_enable_x64 else jnp.int32).astype(jnp.int32)
    item = jax.random.randint(k2, (BATCH,), 1, N_ITEMS + 1, dtype=jnp.int64 if jax.config.jax_enable_x64 else jnp.int32).astype(jnp.int32)
    user_factors = jax.random.normal(k3, (N_USERS, N_FACTORS), dtype=jnp.float32)
    item_factors = jax.random.normal(k4, (N_ITEMS, N_FACTORS), dtype=jnp.float32)
    return {"user": user, "item": item, "user_factors": user_factors, "item_factors": item_factors}

def reference(user, item, user_factors, item_factors):
    # forward: embedding gather (1-based indices), elementwise product, sum over factors, scale by 5
    u = jnp.take(user_factors, user - 1, axis=0)
    it = jnp.take(item_factors, item - 1, axis=0)
    x = (u * it).sum(axis=1)
    return x * 5

if __name__ == "__main__":
    import jax
    _d = setup_inputs()
    print(jax.jit(kernel)(*tuple(_d.values())))

</pallas_src>

<mosaic_0001>
#map = affine_map<(d0, d1) -> (0)>
#map1 = affine_map<(d0, d1) -> (0, 0)>
module attributes {stable_mosaic.version = 14 : i64} {
  func.func @_body(%arg0: i32, %arg1: i32, %arg2: memref<16384xi32, #tpu.memory_space<hbm>>, %arg3: memref<16384xi32, #tpu.memory_space<hbm>>, %arg4: memref<1000000x32xf32, #tpu.memory_space<hbm>>, %arg5: memref<1000000x32xf32, #tpu.memory_space<hbm>>, %arg6: memref<16384xf32, #tpu.memory_space<hbm>>, %arg7: memref<4x128xi32, #tpu.memory_space<vmem>>, %arg8: memref<4x128xi32, #tpu.memory_space<vmem>>, %arg9: memref<512x32xf32, #tpu.memory_space<vmem>>, %arg10: memref<512x32xf32, #tpu.memory_space<vmem>>, %arg11: memref<512xf32, #tpu.memory_space<vmem>>, %arg12: memref<!tpu.dma_semaphore, #tpu.memory_space<semaphore_mem>>) attributes {dimension_semantics = [#tpu.dimension_semantics<core_parallel>, #tpu.dimension_semantics<subcore_parallel>], iteration_bounds = array<i64: 2, 16>, scalar_prefetch = 0 : i64, scratch_operands = 6 : i64, tpu.core_type = #tpu.core_type<sc_vector_subcore>, window_params = [{transform_indices = #map}, {transform_indices = #map}, {transform_indices = #map1}, {transform_indices = #map1}, {transform_indices = #map}]} {
    %mul3A = arith.constant 2 : i32
    %mul3A_0 = arith.muli %arg1, %mul3A : i32
    %add3A = arith.addi %mul3A_0, %arg0 : i32
    %mul3A_1 = arith.constant 512 : i32
    %mul3A_2 = arith.muli %add3A, %mul3A_1 : i32
    %add3A_3 = arith.constant 0 : i32
    %add3A_4 = arith.addi %mul3A_2, %add3A_3 : i32
    %run_scoped3A = arith.constant 0 : i32
    "tpu.region"() ({
      %run_scoped3A_882 = tpu.sem_alloc : memref<!tpu.dma_semaphore, #tpu.memory_space<semaphore_mem>>
      %dma_start3A_883 = arith.constant 0 : i32
      %dma_start3A_884 = tpu.memref_slice %arg7[%run_scoped3A, %dma_start3A_883] : memref<4x128xi32, #tpu.memory_space<vmem>> -> memref<1x128xi32, #tpu.memory_space<vmem>>
      %dma_start3A_885 = tpu.memref_squeeze %dma_start3A_884 : memref<1x128xi32, #tpu.memory_space<vmem>> -> memref<128xi32, #tpu.memory_space<vmem>>
      %dma_start3A_886 = tpu.memref_slice %arg2[%add3A_4] : memref<16384xi32, #tpu.memory_space<hbm>> -> memref<128xi32, #tpu.memory_space<hbm>>
      %dma_start3A_887 = arith.constant 0 : i32
      %dma_start3A_888 = tpu.memref_slice %arg7[%run_scoped3A, %dma_start3A_887] : memref<4x128xi32, #tpu.memory_space<vmem>> -> memref<1x128xi32, #tpu.memory_space<vmem>>
      %dma_start3A_889 = tpu.memref_squeeze %dma_start3A_888 : memref<1x128xi32, #tpu.memory_space<vmem>> -> memref<128xi32, #tpu.memory_space<vmem>>
      %dma_start3A_890 = tpu.memref_slice %arg2[%add3A_4] : memref<16384xi32, #tpu.memory_space<hbm>> -> memref<128xi32, #tpu.memory_space<hbm>>
      tpu.enqueue_dma source(%dma_start3A_890 : memref<128xi32, #tpu.memory_space<hbm>>) target(%dma_start3A_889 : memref<128xi32, #tpu.memory_space<vmem>>) target_semaphore(%run_scoped3A_882 : memref<!tpu.dma_semaphore, #tpu.memory_space<semaphore_mem>>)
      %dma_wait3A_891 = arith.constant 0 : i32
      %dma_wait3A_892 = tpu.memref_slice %arg7[%run_scoped3A, %dma_wait3A_891] : memref<4x128xi32, #tpu.memory_space<vmem>> -> memref<1x128xi32, #tpu.memory_space<vmem>>
      %dma_wait3A_893 = tpu.memref_squeeze %dma_wait3A_892 : memref<1x128xi32, #tpu.memory_space<vmem>> -> memref<128xi32, #tpu.memory_space<vmem>>
      %dma_wait3A_894 = tpu.memref_slice %arg2[%add3A_4] : memref<16384xi32, #tpu.memory_space<hbm>> -> memref<128xi32, #tpu.memory_space<hbm>>
      %dma_wait3A_895 = arith.constant 0 : i32
      %dma_wait3A_896 = tpu.memref_slice %arg7[%run_scoped3A, %dma_wait3A_895] : memref<4x128xi32, #tpu.memory_space<vmem>> -> memref<1x128xi32, #tpu.memory_space<vmem>>
      %dma_wait3A_897 = tpu.memref_squeeze %dma_wait3A_896 : memref<1x128xi32, #tpu.memory_space<vmem>> -> memref<128xi32, #tpu.memory_space<vmem>>
      %dma_wait3A_898 = tpu.memref_slice %arg2[%add3A_4] : memref<16384xi32, #tpu.memory_space<hbm>> -> memref<128xi32, #tpu.memory_space<hbm>>
      tpu.wait_dma2 semaphore(%run_scoped3A_882 : memref<!tpu.dma_semaphore, #tpu.memory_space<semaphore_mem>>) src(%dma_wait3A_898 : memref<128xi32, #tpu.memory_space<hbm>>) dst(%dma_wait3A_897 : memref<128xi32, #tpu.memory_space<vmem>>)
      tpu.yield
    }) : () -> ()
    %run_scoped3A_5 = arith.constant 0 : i32
    "tpu.region"() ({
      %run_scoped3A_882 = tpu.sem_alloc : memref<!tpu.dma_semaphore, #tpu.memory_space<semaphore_mem>>
      %dma_start3A_883 = arith.constant 0 : i32
      %dma_start3A_884 = tpu.memref_slice %arg8[%run_scoped3A_5, %dma_start3A_883] : memref<4x128xi32, #tpu.memory_space<vmem>> -> memref<1x128xi32, #tpu.memory_space<vmem>>
      %dma_start3A_885 = tpu.memref_squeeze %dma_start3A_884 : memref<1x128xi32, #tpu.memory_space<vmem>> -> memref<128xi32, #tpu.memory_space<vmem>>
      %dma_start3A_886 = tpu.memref_slice %arg3[%add3A_4] : memref<16384xi32, #tpu.memory_space<hbm>> -> memref<128xi32, #tpu.memory_space<hbm>>
      %dma_start3A_887 = arith.constant 0 : i32
      %dma_start3A_888 = tpu.memref_slice %arg8[%run_scoped3A_5, %dma_start3A_887] : memref<4x128xi32, #tpu.memory_space<vmem>> -> memref<1x128xi32, #tpu.memory_space<vmem>>
      %dma_start3A_889 = tpu.memref_squeeze %dma_start3A_888 : memref<1x128xi32, #tpu.memory_space<vmem>> -> memref<128xi32, #tpu.memory_space<vmem>>
      %dma_start3A_890 = tpu.memref_slice %arg3[%add3A_4] : memref<16384xi32, #tpu.memory_space<hbm>> -> memref<128xi32, #tpu.memory_space<hbm>>
      tpu.enqueue_dma source(%dma_start3A_890 : memref<128xi32, #tpu.memory_space<hbm>>) target(%dma_start3A_889 : memref<128xi32, #tpu.memory_space<vmem>>) target_semaphore(%run_scoped3A_882 : memref<!tpu.dma_semaphore, #tpu.memory_space<semaphore_mem>>)
      %dma_wait3A_891 = arith.constant 0 : i32
      %dma_wait3A_892 = tpu.memref_slice %arg8[%run_scoped3A_5, %dma_wait3A_891] : memref<4x128xi32, #tpu.memory_space<vmem>> -> memref<1x128xi32, #tpu.memory_space<vmem>>
      %dma_wait3A_893 = tpu.memref_squeeze %dma_wait3A_892 : memref<1x128xi32, #tpu.memory_space<vmem>> -> memref<128xi32, #tpu.memory_space<vmem>>
      %dma_wait3A_894 = tpu.memref_slice %arg3[%add3A_4] : memref<16384xi32, #tpu.memory_space<hbm>> -> memref<128xi32, #tpu.memory_space<hbm>>
      %dma_wait3A_895 = arith.constant 0 : i32
      %dma_wait3A_896 = tpu.memref_slice %arg8[%run_scoped3A_5, %dma_wait3A_895] : memref<4x128xi32, #tpu.memory_space<vmem>> -> memref<1x128xi32, #tpu.memory_space<vmem>>
      %dma_wait3A_897 = tpu.memref_squeeze %dma_wait3A_896 : memref<1x128xi32, #tpu.memory_space<vmem>> -> memref<128xi32, #tpu.memory_space<vmem>>
      %dma_wait3A_898 = tpu.memref_slice %arg3[%add3A_4] : memref<16384xi32, #tpu.memory_space<hbm>> -> memref<128xi32, #tpu.memory_space<hbm>>
      tpu.wait_dma2 semaphore(%run_scoped3A_882 : memref<!tpu.dma_semaphore, #tpu.memory_space<semaphore_mem>>) src(%dma_wait3A_898 : memref<128xi32, #tpu.memory_space<hbm>>) dst(%dma_wait3A_897 : memref<128xi32, #tpu.memory_space<vmem>>)
      tpu.yield
    }) : () -> ()
    %add3A_6 = arith.constant 128 : i32
    %add3A_7 = arith.addi %mul3A_2, %add3A_6 : i32
    %run_scoped3A_8 = arith.constant 1 : i32
    "tpu.region"() ({
      %run_scoped3A_882 = tpu.sem_alloc : memref<!tpu.dma_semaphore, #tpu.memory_space<semaphore_mem>>
      %dma_start3A_883 = arith.constant 0 : i32
      %dma_start3A_884 = tpu.memref_slice %arg7[%run_scoped3A_8, %dma_start3A_883] : memref<4x128xi32, #tpu.memory_space<vmem>> -> memref<1x128xi32, #tpu.memory_space<vmem>>
      %dma_start3A_885 = tpu.memref_squeeze %dma_start3A_884 : memref<1x128xi32, #tpu.memory_space<vmem>> -> memref<128xi32, #tpu.memory_space<vmem>>
      %dma_start3A_886 = tpu.memref_slice %arg2[%add3A_7] : memref<16384xi32, #tpu.memory_space<hbm>> -> memref<128xi32, #tpu.memory_space<hbm>>
      %dma_start3A_887 = arith.constant 0 : i32
      %dma_start3A_888 = tpu.memref_slice %arg7[%run_scoped3A_8, %dma_start3A_887] : memref<4x128xi32, #tpu.memory_space<vmem>> -> memref<1x128xi32, #tpu.memory_space<vmem>>
      %dma_start3A_889 = tpu.memref_squeeze %dma_start3A_888 : memref<1x128xi32, #tpu.memory_space<vmem>> -> memref<128xi32, #tpu.memory_space<vmem>>
      %dma_start3A_890 = tpu.memref_slice %arg2[%add3A_7] : memref<16384xi32, #tpu.memory_space<hbm>> -> memref<128xi32, #tpu.memory_space<hbm>>
      tpu.enqueue_dma source(%dma_start3A_890 : memref<128xi32, #tpu.memory_space<hbm>>) target(%dma_start3A_889 : memref<128xi32, #tpu.memory_space<vmem>>) target_semaphore(%run_scoped3A_882 : memref<!tpu.dma_semaphore, #tpu.memory_space<semaphore_mem>>)
      %dma_wait3A_891 = arith.constant 0 : i32
      %dma_wait3A_892 = tpu.memref_slice %arg7[%run_scoped3A_8, %dma_wait3A_891] : memref<4x128xi32, #tpu.memory_space<vmem>> -> memref<1x128xi32, #tpu.memory_space<vmem>>
      %dma_wait3A_893 = tpu.memref_squeeze %dma_wait3A_892 : memref<1x128xi32, #tpu.memory_space<vmem>> -> memref<128xi32, #tpu.memory_space<vmem>>
      %dma_wait3A_894 = tpu.memref_slice %arg2[%add3A_7] : memref<16384xi32, #tpu.memory_space<hbm>> -> memref<128xi32, #tpu.memory_space<hbm>>
      %dma_wait3A_895 = arith.constant 0 : i32
      %dma_wait3A_896 = tpu.memref_slice %arg7[%run_scoped3A_8, %dma_wait3A_895] : memref<4x128xi32, #tpu.memory_space<vmem>> -> memref<1x128xi32, #tpu.memory_space<vmem>>
      %dma_wait3A_897 = tpu.memref_squeeze %dma_wait3A_896 : memref<1x128xi32, #tpu.memory_space<vmem>> -> memref<128xi32, #tpu.memory_space<vmem>>
      %dma_wait3A_898 = tpu.memref_slice %arg2[%add3A_7] : memref<16384xi32, #tpu.memory_space<hbm>> -> memref<128xi32, #tpu.memory_space<hbm>>
      tpu.wait_dma2 semaphore(%run_scoped3A_882 : memref<!tpu.dma_semaphore, #tpu.memory_space<semaphore_mem>>) src(%dma_wait3A_898 : memref<128xi32, #tpu.memory_space<hbm>>) dst(%dma_wait3A_897 : memref<128xi32, #tpu.memory_space<vmem>>)
      tpu.yield
    }) : () -> ()
    %run_scoped3A_9 = arith.constant 1 : i32
    "tpu.region"() ({
      %run_scoped3A_882 = tpu.sem_alloc : memref<!tpu.dma_semaphore, #tpu.memory_space<semaphore_mem>>
      %dma_start3A_883 = arith.constant 0 : i32
      %dma_start3A_884 = tpu.memref_slice %arg8[%run_scoped3A_9, %dma_start3A_883] : memref<4x128xi32, #tpu.memory_space<vmem>> -> memref<1x128xi32, #tpu.memory_space<vmem>>
      %dma_start3A_885 = tpu.memref_squeeze %dma_start3A_884 : memref<1x128xi32, #tpu.memory_space<vmem>> -> memref<128xi32, #tpu.memory_space<vmem>>
      %dma_start3A_886 = tpu.memref_slice %arg3[%add3A_7] : memref<16384xi32, #tpu.memory_space<hbm>> -> memref<128xi32, #tpu.memory_space<hbm>>
      %dma_start3A_887 = arith.constant 0 : i32
      %dma_start3A_888 = tpu.memref_slice %arg8[%run_scoped3A_9, %dma_start3A_887] : memref<4x128xi32, #tpu.memory_space<vmem>> -> memref<1x128xi32, #tpu.memory_space<vmem>>
      %dma_start3A_889 = tpu.memref_squeeze %dma_start3A_888 : memref<1x128xi32, #tpu.memory_space<vmem>> -> memref<128xi32, #tpu.memory_space<vmem>>
      %dma_start3A_890 = tpu.memref_slice %arg3[%add3A_7] : memref<16384xi32, #tpu.memory_space<hbm>> -> memref<128xi32, #tpu.memory_space<hbm>>
      tpu.enqueue_dma source(%dma_start3A_890 : memref<128xi32, #tpu.memory_space<hbm>>) target(%dma_start3A_889 : memref<128xi32, #tpu.memory_space<vmem>>) target_semaphore(%run_scoped3A_882 : memref<!tpu.dma_semaphore, #tpu.memory_space<semaphore_mem>>)
      %dma_wait3A_891 = arith.constant 0 : i32
      %dma_wait3A_892 = tpu.memref_slice %arg8[%run_scoped3A_9, %dma_wait3A_891] : memref<4x128xi32, #tpu.memory_space<vmem>> -> memref<1x128xi32, #tpu.memory_space<vmem>>
      %dma_wait3A_893 = tpu.memref_squeeze %dma_wait3A_892 : memref<1x128xi32, #tpu.memory_space<vmem>> -> memref<128xi32, #tpu.memory_space<vmem>>
      %dma_wait3A_894 = tpu.memref_slice %arg3[%add3A_7] : memref<16384xi32, #tpu.memory_space<hbm>> -> memref<128xi32, #tpu.memory_space<hbm>>
      %dma_wait3A_895 = arith.constant 0 : i32
      %dma_wait3A_896 = tpu.memref_slice %arg8[%run_scoped3A_9, %dma_wait3A_895] : memref<4x128xi32, #tpu.memory_space<vmem>> -> memref<1x128xi32, #tpu.memory_space<vmem>>
      %dma_wait3A_897 = tpu.memref_squeeze %dma_wait3A_896 : memref<1x128xi32, #tpu.memory_space<vmem>> -> memref<128xi32, #tpu.memory_space<vmem>>
      %dma_wait3A_898 = tpu.memref_slice %arg3[%add3A_7] : memref<16384xi32, #tpu.memory_space<hbm>> -> memref<128xi32, #tpu.memory_space<hbm>>
      tpu.wait_dma2 semaphore(%run_scoped3A_882 : memref<!tpu.dma_semaphore, #tpu.memory_space<semaphore_mem>>) src(%dma_wait3A_898 : memref<128xi32, #tpu.memory_space<hbm>>) dst(%dma_wait3A_897 : memref<128xi32, #tpu.memory_space<vmem>>)
      tpu.yield
    }) : () -> ()
    %add3A_10 = arith.constant 256 : i32
    %add3A_11 = arith.addi %mul3A_2, %add3A_10 : i32
    %run_scoped3A_12 = arith.constant 2 : i32
    "tpu.region"() ({
      %run_scoped3A_882 = tpu.sem_alloc : memref<!tpu.dma_semaphore, #tpu.memory_space<semaphore_mem>>
      %dma_start3A_883 = arith.constant 0 : i32
      %dma_start3A_884 = tpu.memref_slice %arg7[%run_scoped3A_12, %dma_start3A_883] : memref<4x128xi32, #tpu.memory_space<vmem>> -> memref<1x128xi32, #tpu.memory_space<vmem>>
      %dma_start3A_885 = tpu.memref_squeeze %dma_start3A_884 : memref<1x128xi32, #tpu.memory_space<vmem>> -> memref<128xi32, #tpu.memory_space<vmem>>
      %dma_start3A_886 = tpu.memref_slice %arg2[%add3A_11] : memref<16384xi32, #tpu.memory_space<hbm>> -> memref<128xi32, #tpu.memory_space<hbm>>
      %dma_start3A_887 = arith.constant 0 : i32
      %dma_start3A_888 = tpu.memref_slice %arg7[%run_scoped3A_12, %dma_start3A_887] : memref<4x128xi32, #tpu.memory_space<vmem>> -> memref<1x128xi32, #tpu.memory_space<vmem>>
      %dma_start3A_889 = tpu.memref_squeeze %dma_start3A_888 : memref<1x128xi32, #tpu.memory_space<vmem>> -> memref<128xi32, #tpu.memory_space<vmem>>
      %dma_start3A_890 = tpu.memref_slice %arg2[%add3A_11] : memref<16384xi32, #tpu.memory_space<hbm>> -> memref<128xi32, #tpu.memory_space<hbm>>
      tpu.enqueue_dma source(%dma_start3A_890 : memref<128xi32, #tpu.memory_space<hbm>>) target(%dma_start3A_889 : memref<128xi32, #tpu.memory_space<vmem>>) target_semaphore(%run_scoped3A_882 : memref<!tpu.dma_semaphore, #tpu.memory_space<semaphore_mem>>)
      %dma_wait3A_891 = arith.constant 0 : i32
      %dma_wait3A_892 = tpu.memref_slice %arg7[%run_scoped3A_12, %dma_wait3A_891] : memref<4x128xi32, #tpu.memory_space<vmem>> -> memref<1x128xi32, #tpu.memory_space<vmem>>
      %dma_wait3A_893 = tpu.memref_squeeze %dma_wait3A_892 : memref<1x128xi32, #tpu.memory_space<vmem>> -> memref<128xi32, #tpu.memory_space<vmem>>
      %dma_wait3A_894 = tpu.memref_slice %arg2[%add3A_11] : memref<16384xi32, #tpu.memory_space<hbm>> -> memref<128xi32, #tpu.memory_space<hbm>>
      %dma_wait3A_895 = arith.constant 0 : i32
      %dma_wait3A_896 = tpu.memref_slice %arg7[%run_scoped3A_12, %dma_wait3A_895] : memref<4x128xi32, #tpu.memory_space<vmem>> -> memref<1x128xi32, #tpu.memory_space<vmem>>
      %dma_wait3A_897 = tpu.memref_squeeze %dma_wait3A_896 : memref<1x128xi32, #tpu.memory_space<vmem>> -> memref<128xi32, #tpu.memory_space<vmem>>
      %dma_wait3A_898 = tpu.memref_slice %arg2[%add3A_11] : memref<16384xi32, #tpu.memory_space<hbm>> -> memref<128xi32, #tpu.memory_space<hbm>>
      tpu.wait_dma2 semaphore(%run_scoped3A_882 : memref<!tpu.dma_semaphore, #tpu.memory_space<semaphore_mem>>) src(%dma_wait3A_898 : memref<128xi32, #tpu.memory_space<hbm>>) dst(%dma_wait3A_897 : memref<128xi32, #tpu.memory_space<vmem>>)
      tpu.yield
    }) : () -> ()
    %run_scoped3A_13 = arith.constant 2 : i32
    "tpu.region"() ({
      %run_scoped3A_882 = tpu.sem_alloc : memref<!tpu.dma_semaphore, #tpu.memory_space<semaphore_mem>>
      %dma_start3A_883 = arith.constant 0 : i32
      %dma_start3A_884 = tpu.memref_slice %arg8[%run_scoped3A_13, %dma_start3A_883] : memref<4x128xi32, #tpu.memory_space<vmem>> -> memref<1x128xi32, #tpu.memory_space<vmem>>
      %dma_start3A_885 = tpu.memref_squeeze %dma_start3A_884 : memref<1x128xi32, #tpu.memory_space<vmem>> -> memref<128xi32, #tpu.memory_space<vmem>>
      %dma_start3A_886 = tpu.memref_slice %arg3[%add3A_11] : memref<16384xi32, #tpu.memory_space<hbm>> -> memref<128xi32, #tpu.memory_space<hbm>>
      %dma_start3A_887 = arith.constant 0 : i32
      %dma_start3A_888 = tpu.memref_slice %arg8[%run_scoped3A_13, %dma_start3A_887] : memref<4x128xi32, #tpu.memory_space<vmem>> -> memref<1x128xi32, #tpu.memory_space<vmem>>
      %dma_start3A_889 = tpu.memref_squeeze %dma_start3A_888 : memref<1x128xi32, #tpu.memory_space<vmem>> -> memref<128xi32, #tpu.memory_space<vmem>>
      %dma_start3A_890 = tpu.memref_slice %arg3[%add3A_11] : memref<16384xi32, #tpu.memory_space<hbm>> -> memref<128xi32, #tpu.memory_space<hbm>>
      tpu.enqueue_dma source(%dma_start3A_890 : memref<128xi32, #tpu.memory_space<hbm>>) target(%dma_start3A_889 : memref<128xi32, #tpu.memory_space<vmem>>) target_semaphore(%run_scoped3A_882 : memref<!tpu.dma_semaphore, #tpu.memory_space<semaphore_mem>>)
      %dma_wait3A_891 = arith.constant 0 : i32
      %dma_wait3A_892 = tpu.memref_slice %arg8[%run_scoped3A_13, %dma_wait3A_891] : memref<4x128xi32, #tpu.memory_space<vmem>> -> memref<1x128xi32, #tpu.memory_space<vmem>>
      %dma_wait3A_893 = tpu.memref_squeeze %dma_wait3A_892 : memref<1x128xi32, #tpu.memory_space<vmem>> -> memref<128xi32, #tpu.memory_space<vmem>>
      %dma_wait3A_894 = tpu.memref_slice %arg3[%add3A_11] : memref<16384xi32, #tpu.memory_space<hbm>> -> memref<128xi32, #tpu.memory_space<hbm>>
      %dma_wait3A_895 = arith.constant 0 : i32
      %dma_wait3A_896 = tpu.memref_slice %arg8[%run_scoped3A_13, %dma_wait3A_895] : memref<4x128xi32, #tpu.memory_space<vmem>> -> memref<1x128xi32, #tpu.memory_space<vmem>>
      %dma_wait3A_897 = tpu.memref_squeeze %dma_wait3A_896 : memref<1x128xi32, #tpu.memory_space<vmem>> -> memref<128xi32, #tpu.memory_space<vmem>>
      %dma_wait3A_898 = tpu.memref_slice %arg3[%add3A_11] : memref<16384xi32, #tpu.memory_space<hbm>> -> memref<128xi32, #tpu.memory_space<hbm>>
      tpu.wait_dma2 semaphore(%run_scoped3A_882 : memref<!tpu.dma_semaphore, #tpu.memory_space<semaphore_mem>>) src(%dma_wait3A_898 : memref<128xi32, #tpu.memory_space<hbm>>) dst(%dma_wait3A_897 : memref<128xi32, #tpu.memory_space<vmem>>)
      tpu.yield
    }) : () -> ()
    %add3A_14 = arith.constant 384 : i32
    %add3A_15 = arith.addi %mul3A_2, %add3A_14 : i32
    %run_scoped3A_16 = arith.constant 3 : i32
    "tpu.region"() ({
      %run_scoped3A_882 = tpu.sem_alloc : memref<!tpu.dma_semaphore, #tpu.memory_space<semaphore_mem>>
      %dma_start3A_883 = arith.constant 0 : i32
      %dma_start3A_884 = tpu.memref_slice %arg7[%run_scoped3A_16, %dma_start3A_883] : memref<4x128xi32, #tpu.memory_space<vmem>> -> memref<1x128xi32, #tpu.memory_space<vmem>>
      %dma_start3A_885 = tpu.memref_squeeze %dma_start3A_884 : memref<1x128xi32, #tpu.memory_space<vmem>> -> memref<128xi32, #tpu.memory_space<vmem>>
      %dma_start3A_886 = tpu.memref_slice %arg2[%add3A_15] : memref<16384xi32, #tpu.memory_space<hbm>> -> memref<128xi32, #tpu.memory_space<hbm>>
      %dma_start3A_887 = arith.constant 0 : i32
      %dma_start3A_888 = tpu.memref_slice %arg7[%run_scoped3A_16, %dma_start3A_887] : memref<4x128xi32, #tpu.memory_space<vmem>> -> memref<1x128xi32, #tpu.memory_space<vmem>>
      %dma_start3A_889 = tpu.memref_squeeze %dma_start3A_888 : memref<1x128xi32, #tpu.memory_space<vmem>> -> memref<128xi32, #tpu.memory_space<vmem>>
      %dma_start3A_890 = tpu.memref_slice %arg2[%add3A_15] : memref<16384xi32, #tpu.memory_space<hbm>> -> memref<128xi32, #tpu.memory_space<hbm>>
      tpu.enqueue_dma source(%dma_start3A_890 : memref<128xi32, #tpu.memory_space<hbm>>) target(%dma_start3A_889 : memref<128xi32, #tpu.memory_space<vmem>>) target_semaphore(%run_scoped3A_882 : memref<!tpu.dma_semaphore, #tpu.memory_space<semaphore_mem>>)
      %dma_wait3A_891 = arith.constant 0 : i32
      %dma_wait3A_892 = tpu.memref_slice %arg7[%run_scoped3A_16, %dma_wait3A_891] : memref<4x128xi32, #tpu.memory_space<vmem>> -> memref<1x128xi32, #tpu.memory_space<vmem>>
      %dma_wait3A_893 = tpu.memref_squeeze %dma_wait3A_892 : memref<1x128xi32, #tpu.memory_space<vmem>> -> memref<128xi32, #tpu.memory_space<vmem>>
      %dma_wait3A_894 = tpu.memref_slice %arg2[%add3A_15] : memref<16384xi32, #tpu.memory_space<hbm>> -> memref<128xi32, #tpu.memory_space<hbm>>
      %dma_wait3A_895 = arith.constant 0 : i32
      %dma_wait3A_896 = tpu.memref_slice %arg7[%run_scoped3A_16, %dma_wait3A_895] : memref<4x128xi32, #tpu.memory_space<vmem>> -> memref<1x128xi32, #tpu.memory_space<vmem>>
      %dma_wait3A_897 = tpu.memref_squeeze %dma_wait3A_896 : memref<1x128xi32, #tpu.memory_space<vmem>> -> memref<128xi32, #tpu.memory_space<vmem>>
      %dma_wait3A_898 = tpu.memref_slice %arg2[%add3A_15] : memref<16384xi32, #tpu.memory_space<hbm>> -> memref<128xi32, #tpu.memory_space<hbm>>
      tpu.wait_dma2 semaphore(%run_scoped3A_882 : memref<!tpu.dma_semaphore, #tpu.memory_space<semaphore_mem>>) src(%dma_wait3A_898 : memref<128xi32, #tpu.memory_space<hbm>>) dst(%dma_wait3A_897 : memref<128xi32, #tpu.memory_space<vmem>>)
      tpu.yield
    }) : () -> ()
    %run_scoped3A_17 = arith.constant 3 : i32
    "tpu.region"() ({
      %run_scoped3A_882 = tpu.sem_alloc : memref<!tpu.dma_semaphore, #tpu.memory_space<semaphore_mem>>
      %dma_start3A_883 = arith.constant 0 : i32
      %dma_start3A_884 = tpu.memref_slice %arg8[%run_scoped3A_17, %dma_start3A_883] : memref<4x128xi32, #tpu.memory_space<vmem>> -> memref<1x128xi32, #tpu.memory_space<vmem>>
      %dma_start3A_885 = tpu.memref_squeeze %dma_start3A_884 : memref<1x128xi32, #tpu.memory_space<vmem>> -> memref<128xi32, #tpu.memory_space<vmem>>
      %dma_start3A_886 = tpu.memref_slice %arg3[%add3A_15] : memref<16384xi32, #tpu.memory_space<hbm>> -> memref<128xi32, #tpu.memory_space<hbm>>
      %dma_start3A_887 = arith.constant 0 : i32
      %dma_start3A_888 = tpu.memref_slice %arg8[%run_scoped3A_17, %dma_start3A_887] : memref<4x128xi32, #tpu.memory_space<vmem>> -> memref<1x128xi32, #tpu.memory_space<vmem>>
      %dma_start3A_889 = tpu.memref_squeeze %dma_start3A_888 : memref<1x128xi32, #tpu.memory_space<vmem>> -> memref<128xi32, #tpu.memory_space<vmem>>
      %dma_start3A_890 = tpu.memref_slice %arg3[%add3A_15] : memref<16384xi32, #tpu.memory_space<hbm>> -> memref<128xi32, #tpu.memory_space<hbm>>
      tpu.enqueue_dma source(%dma_start3A_890 : memref<128xi32, #tpu.memory_space<hbm>>) target(%dma_start3A_889 : memref<128xi32, #tpu.memory_space<vmem>>) target_semaphore(%run_scoped3A_882 : memref<!tpu.dma_semaphore, #tpu.memory_space<semaphore_mem>>)
      %dma_wait3A_891 = arith.constant 0 : i32
      %dma_wait3A_892 = tpu.memref_slice %arg8[%run_scoped3A_17, %dma_wait3A_891] : memref<4x128xi32, #tpu.memory_space<vmem>> -> memref<1x128xi32, #tpu.memory_space<vmem>>
      %dma_wait3A_893 = tpu.memref_squeeze %dma_wait3A_892 : memref<1x128xi32, #tpu.memory_space<vmem>> -> memref<128xi32, #tpu.memory_space<vmem>>
      %dma_wait3A_894 = tpu.memref_slice %arg3[%add3A_15] : memref<16384xi32, #tpu.memory_space<hbm>> -> memref<128xi32, #tpu.memory_space<hbm>>
      %dma_wait3A_895 = arith.constant 0 : i32
      %dma_wait3A_896 = tpu.memref_slice %arg8[%run_scoped3A_17, %dma_wait3A_895] : memref<4x128xi32, #tpu.memory_space<vmem>> -> memref<1x128xi32, #tpu.memory_space<vmem>>
      %dma_wait3A_897 = tpu.memref_squeeze %dma_wait3A_896 : memref<1x128xi32, #tpu.memory_space<vmem>> -> memref<128xi32, #tpu.memory_space<vmem>>
      %dma_wait3A_898 = tpu.memref_slice %arg3[%add3A_15] : memref<16384xi32, #tpu.memory_space<hbm>> -> memref<128xi32, #tpu.memory_space<hbm>>
      tpu.wait_dma2 semaphore(%run_scoped3A_882 : memref<!tpu.dma_semaphore, #tpu.memory_space<semaphore_mem>>) src(%dma_wait3A_898 : memref<128xi32, #tpu.memory_space<hbm>>) dst(%dma_wait3A_897 : memref<128xi32, #tpu.memory_space<vmem>>)
      tpu.yield
    }) : () -> ()
    %get3A = arith.constant 0 : i32
    %get3A_18 = arith.index_cast %get3A : i32 to index
    %get3A_19 = arith.constant 0 : index
    %get3A_20 = tpu.vector_load %arg7[%get3A_18, %get3A_19] {strides = array<i32>} : memref<4x128xi32, #tpu.memory_space<vmem>>, vector<16xi32>,
    %sub3A = arith.constant 1 : i32
    %sub3A_21 = vector.broadcast %sub3A : i32 to vector<16xi32>
    %sub3A_22 = arith.subi %get3A_20, %sub3A_21 : vector<16xi32>
    %swap3A = arith.constant 0 : i32
    %swap3A_23 = arith.index_cast %swap3A : i32 to index
    %swap3A_24 = arith.constant 0 : index
    %swap3A_25 = tpu.vector_load %arg7[%swap3A_23, %swap3A_24] {strides = array<i32>} : memref<4x128xi32, #tpu.memory_space<vmem>>, vector<16xi32>,
    tpu.vector_store %arg7[%swap3A_23, %swap3A_24], %sub3A_22 {strides = array<i32>} : memref<4x128xi32, #tpu.memory_space<vmem>>, vector<16xi32>,
    %get3A_26 = arith.constant 0 : i32
    %get3A_27 = arith.index_cast %get3A_26 : i32 to index
    %get3A_28 = arith.constant 0 : index
    %get3A_29 = tpu.vector_load %arg8[%get3A_27, %get3A_28] {strides = array<i32>} : memref<4x128xi32, #tpu.memory_space<vmem>>, vector<16xi32>,
    %sub3A_30 = arith.constant 1 : i32
    %sub3A_31 = vector.broadcast %sub3A_30 : i32 to vector<16xi32>
    %sub3A_32 = arith.subi %get3A_29, %sub3A_31 : vector<16xi32>
    %swap3A_33 = arith.constant 0 : i32
    %swap3A_34 = arith.index_cast %swap3A_33 : i32 to index
    %swap3A_35 = arith.constant 0 : index
    %swap3A_36 = tpu.vector_load %arg8[%swap3A_34, %swap3A_35] {strides = array<i32>} : memref<4x128xi32, #tpu.memory_space<vmem>>, vector<16xi32>,
    tpu.vector_store %arg8[%swap3A_34, %swap3A_35], %sub3A_32 {strides = array<i32>} : memref<4x128xi32, #tpu.memory_space<vmem>>, vector<16xi32>,
    %get3A_37 = arith.constant 0 : i32
    %get3A_38 = arith.index_cast %get3A_37 : i32 to index
    %get3A_39 = arith.constant 16 : index
    %get3A_40 = tpu.vector_load %arg7[%get3A_38, %get3A_39] {strides = array<i32>} : memref<4x128xi32, #tpu.memory_space<vmem>>, vector<16xi32>,
    %sub3A_41 = arith.constant 1 : i32
    %sub3A_42 = vector.broadcast %sub3A_41 : i32 to vector<16xi32>
    %sub3A_43 = arith.subi %get3A_40, %sub3A_42 : vector<16xi32>
    %swap3A_44 = arith.constant 0 : i32
    %swap3A_45 = arith.index_cast %swap3A_44 : i32 to index
    %swap3A_46 = arith.constant 16 : index
    %swap3A_47 = tpu.vector_load %arg7[%swap3A_45, %swap3A_46] {strides = array<i32>} : memref<4x128xi32, #tpu.memory_space<vmem>>, vector<16xi32>,
    tpu.vector_store %arg7[%swap3A_45, %swap3A_46], %sub3A_43 {strides = array<i32>} : memref<4x128xi32, #tpu.memory_space<vmem>>, vector<16xi32>,
    %get3A_48 = arith.constant 0 : i32
    %get3A_49 = arith.index_cast %get3A_48 : i32 to index
    %get3A_50 = arith.constant 16 : index
    %get3A_51 = tpu.vector_load %arg8[%get3A_49, %get3A_50] {strides = array<i32>} : memref<4x128xi32, #tpu.memory_space<vmem>>, vector<16xi32>,
    %sub3A_52 = arith.constant 1 : i32
    %sub3A_53 = vector.broadcast %sub3A_52 : i32 to vector<16xi32>
    %sub3A_54 = arith.subi %get3A_51, %sub3A_53 : vector<16xi32>
    %swap3A_55 = arith.constant 0 : i32
    %swap3A_56 = arith.index_cast %swap3A_55 : i32 to index
    %swap3A_57 = arith.constant 16 : index
    %swap3A_58 = tpu.vector_load %arg8[%swap3A_56, %swap3A_57] {strides = array<i32>} : memref<4x128xi32, #tpu.memory_space<vmem>>, vector<16xi32>,
    tpu.vector_store %arg8[%swap3A_56, %swap3A_57], %sub3A_54 {strides = array<i32>} : memref<4x128xi32, #tpu.memory_space<vmem>>, vector<16xi32>,
    %get3A_59 = arith.constant 0 : i32
    %get3A_60 = arith.index_cast %get3A_59 : i32 to index
    %get3A_61 = arith.constant 32 : index
    %get3A_62 = tpu.vector_load %arg7[%get3A_60, %get3A_61] {strides = array<i32>} : memref<4x128xi32, #tpu.memory_space<vmem>>, vector<16xi32>,
    %sub3A_63 = arith.constant 1 : i32
    %sub3A_64 = vector.broadcast %sub3A_63 : i32 to vector<16xi32>
    %sub3A_65 = arith.subi %get3A_62, %sub3A_64 : vector<16xi32>
    %swap3A_66 = arith.constant 0 : i32
    %swap3A_67 = arith.index_cast %swap3A_66 : i32 to index
    %swap3A_68 = arith.constant 32 : index
    %swap3A_69 = tpu.vector_load %arg7[%swap3A_67, %swap3A_68] {strides = array<i32>} : memref<4x128xi32, #tpu.memory_space<vmem>>, vector<16xi32>,
    tpu.vector_store %arg7[%swap3A_67, %swap3A_68], %sub3A_65 {strides = array<i32>} : memref<4x128xi32, #tpu.memory_space<vmem>>, vector<16xi32>,
    %get3A_70 = arith.constant 0 : i32
    %get3A_71 = arith.index_cast %get3A_70 : i32 to index
    %get3A_72 = arith.constant 32 : index
    %get3A_73 = tpu.vector_load %arg8[%get3A_71, %get3A_72] {strides = array<i32>} : memref<4x128xi32, #tpu.memory_space<vmem>>, vector<16xi32>,
    %sub3A_74 = arith.constant 1 : i32
    %sub3A_75 = vector.broadcast %sub3A_74 : i32 to vector<16xi32>
    %sub3A_76 = arith.subi %get3A_73, %sub3A_75 : vector<16xi32>
    %swap3A_77 = arith.constant 0 : i32
    %swap3A_78 = arith.index_cast %swap3A_77 : i32 to index
    %swap3A_79 = arith.constant 32 : index
    %swap3A_80 = tpu.vector_load %arg8[%swap3A_78, %swap3A_79] {strides = array<i32>} : memref<4x128xi32, #tpu.memory_space<vmem>>, vector<16xi32>,
    tpu.vector_store %arg8[%swap3A_78, %swap3A_79], %sub3A_76 {strides = array<i32>} : memref<4x128xi32, #tpu.memory_space<vmem>>, vector<16xi32>,
    %get3A_81 = arith.constant 0 : i32
    %get3A_82 = arith.index_cast %get3A_81 : i32 to index
    %get3A_83 = arith.constant 48 : index
    %get3A_84 = tpu.vector_load %arg7[%get3A_82, %get3A_83] {strides = array<i32>} : memref<4x128xi32, #tpu.memory_space<vmem>>, vector<16xi32>,
    %sub3A_85 = arith.constant 1 : i32
    %sub3A_86 = vector.broadcast %sub3A_85 : i32 to vector<16xi32>
    %sub3A_87 = arith.subi %get3A_84, %sub3A_86 : vector<16xi32>
    %swap3A_88 = arith.constant 0 : i32
    %swap3A_89 = arith.index_cast %swap3A_88 : i32 to index
    %swap3A_90 = arith.constant 48 : index
    %swap3A_91 = tpu.vector_load %arg7[%swap3A_89, %swap3A_90] {strides = array<i32>} : memref<4x128xi32, #tpu.memory_space<vmem>>, vector<16xi32>,
    tpu.vector_store %arg7[%swap3A_89, %swap3A_90], %sub3A_87 {strides = array<i32>} : memref<4x128xi32, #tpu.memory_space<vmem>>, vector<16xi32>,
    %get3A_92 = arith.constant 0 : i32
    %get3A_93 = arith.index_cast %get3A_92 : i32 to index
    %get3A_94 = arith.constant 48 : index
    %get3A_95 = tpu.vector_load %arg8[%get3A_93, %get3A_94] {strides = array<i32>} : memref<4x128xi32, #tpu.memory_space<vmem>>, vector<16xi32>,
    %sub3A_96 = arith.constant 1 : i32
    %sub3A_97 = vector.broadcast %sub3A_96 : i32 to vector<16xi32>
    %sub3A_98 = arith.subi %get3A_95, %sub3A_97 : vector<16xi32>
    %swap3A_99 = arith.constant 0 : i32
    %swap3A_100 = arith.index_cast %swap3A_99 : i32 to index
    %swap3A_101 = arith.constant 48 : index
    %swap3A_102 = tpu.vector_load %arg8[%swap3A_100, %swap3A_101] {strides = array<i32>} : memref<4x128xi32, #tpu.memory_space<vmem>>, vector<16xi32>,
    tpu.vector_store %arg8[%swap3A_100, %swap3A_101], %sub3A_98 {strides = array<i32>} : memref<4x128xi32, #tpu.memory_space<vmem>>, vector<16xi32>,
    %get3A_103 = arith.constant 0 : i32
    %get3A_104 = arith.index_cast %get3A_103 : i32 to index
    %get3A_105 = arith.constant 64 : index
    %get3A_106 = tpu.vector_load %arg7[%get3A_104, %get3A_105] {strides = array<i32>} : memref<4x128xi32, #tpu.memory_space<vmem>>, vector<16xi32>,
    %sub3A_107 = arith.constant 1 : i32
    %sub3A_108 = vector.broadcast %sub3A_107 : i32 to vector<16xi32>
    %sub3A_109 = arith.subi %get3A_106, %sub3A_108 : vector<16xi32>
    %swap3A_110 = arith.constant 0 : i32
    %swap3A_111 = arith.index_cast %swap3A_110 : i32 to index
    %swap3A_112 = arith.constant 64 : index
    %swap3A_113 = tpu.vector_load %arg7[%swap3A_111, %swap3A_112] {strides = array<i32>} : memref<4x128xi32, #tpu.memory_space<vmem>>, vector<16xi32>,
    tpu.vector_store %arg7[%swap3A_111, %swap3A_112], %sub3A_109 {strides = array<i32>} : memref<4x128xi32, #tpu.memory_space<vmem>>, vector<16xi32>,
    %get3A_114 = arith.constant 0 : i32
    %get3A_115 = arith.index_cast %get3A_114 : i32 to index
    %get3A_116 = arith.constant 64 : index
    %get3A_117 = tpu.vector_load %arg8[%get3A_115, %get3A_116] {strides = array<i32>} : memref<4x128xi32, #tpu.memory_space<vmem>>, vector<16xi32>,
    %sub3A_118 = arith.constant 1 : i32
    %sub3A_119 = vector.broadcast %sub3A_118 : i32 to vector<16xi32>
    %sub3A_120 = arith.subi %get3A_117, %sub3A_119 : vector<16xi32>
    %swap3A_121 = arith.constant 0 : i32
    %swap3A_122 = arith.index_cast %swap3A_121 : i32 to index
    %swap3A_123 = arith.constant 64 : index
    %swap3A_124 = tpu.vector_load %arg8[%swap3A_122, %swap3A_123] {strides = array<i32>} : memref<4x128xi32, #tpu.memory_space<vmem>>, vector<16xi32>,
    tpu.vector_store %arg8[%swap3A_122, %swap3A_123], %sub3A_120 {strides = array<i32>} : memref<4x128xi32, #tpu.memory_space<vmem>>, vector<16xi32>,
    %get3A_125 = arith.constant 0 : i32
    %get3A_126 = arith.index_cast %get3A_125 : i32 to index
    %get3A_127 = arith.constant 80 : index
    %get3A_128 = tpu.vector_load %arg7[%get3A_126, %get3A_127] {strides = array<i32>} : memref<4x128xi32, #tpu.memory_space<vmem>>, vector<16xi32>,
    %sub3A_129 = arith.constant 1 : i32
    %sub3A_130 = vector.broadcast %sub3A_129 : i32 to vector<16xi32>
    %sub3A_131 = arith.subi %get3A_128, %sub3A_130 : vector<16xi32>
    %swap3A_132 = arith.constant 0 : i32
    %swap3A_133 = arith.index_cast %swap3A_132 : i32 to index
    %swap3A_134 = arith.constant 80 : index
    %swap3A_135 = tpu.vector_load %arg7[%swap3A_133, %swap3A_134] {strides = array<i32>} : memref<4x128xi32, #tpu.memory_space<vmem>>, vector<16xi32>,
    tpu.vector_store %arg7[%swap3A_133, %swap3A_134], %sub3A_131 {strides = array<i32>} : memref<4x128xi32, #tpu.memory_space<vmem>>, vector<16xi32>,
    %get3A_136 = arith.constant 0 : i32
    %get3A_137 = arith.index_cast %get3A_136 : i32 to index
    %get3A_138 = arith.constant 80 : index
    %get3A_139 = tpu.vector_load %arg8[%get3A_137, %get3A_138] {strides = array<i32>} : memref<4x128xi32, #tpu.memory_space<vmem>>, vector<16xi32>,
    %sub3A_140 = arith.constant 1 : i32
    %sub3A_141 = vector.broadcast %sub3A_140 : i32 to vector<16xi32>
    %sub3A_142 = arith.subi %get3A_139, %sub3A_141 : vector<16xi32>
    %swap3A_143 = arith.constant 0 : i32
    %swap3A_144 = arith.index_cast %swap3A_143 : i32 to index
    %swap3A_145 = arith.constant 80 : index
    %swap3A_146 = tpu.vector_load %arg8[%swap3A_144, %swap3A_145] {strides = array<i32>} : memref<4x128xi32, #tpu.memory_space<vmem>>, vector<16xi32>,
    tpu.vector_store %arg8[%swap3A_144, %swap3A_145], %sub3A_142 {strides = array<i32>} : memref<4x128xi32, #tpu.memory_space<vmem>>, vector<16xi32>,
    %get3A_147 = arith.constant 0 : i32
    %get3A_148 = arith.index_cast %get3A_147 : i32 to index
    %get3A_149 = arith.constant 96 : index
    %get3A_150 = tpu.vector_load %arg7[%get3A_148, %get3A_149] {strides = array<i32>} : memref<4x128xi32, #tpu.memory_space<vmem>>, vector<16xi32>,
    %sub3A_151 = arith.constant 1 : i32
    %sub3A_152 = vector.broadcast %sub3A_151 : i32 to vector<16xi32>
    %sub3A_153 = arith.subi %get3A_150, %sub3A_152 : vector<16xi32>
    %swap3A_154 = arith.constant 0 : i32
    %swap3A_155 = arith.index_cast %swap3A_154 : i32 to index
    %swap3A_156 = arith.constant 96 : index
    %swap3A_157 = tpu.vector_load %arg7[%swap3A_155, %swap3A_156] {strides = array<i32>} : memref<4x128xi32, #tpu.memory_space<vmem>>, vector<16xi32>,
    tpu.vector_store %arg7[%swap3A_155, %swap3A_156], %sub3A_153 {strides = array<i32>} : memref<4x128xi32, #tpu.memory_space<vmem>>, vector<16xi32>,
    %get3A_158 = arith.constant 0 : i32
    %get3A_159 = arith.index_cast %get3A_158 : i32 to index
    %get3A_160 = arith.constant 96 : index
    %get3A_161 = tpu.vector_load %arg8[%get3A_159, %get3A_160] {strides = array<i32>} : memref<4x128xi32, #tpu.memory_space<vmem>>, vector<16xi32>,
    %sub3A_162 = arith.constant 1 : i32
    %sub3A_163 = vector.broadcast %sub3A_162 : i32 to vector<16xi32>
    %sub3A_164 = arith.subi %get3A_161, %sub3A_163 : vector<16xi32>
    %swap3A_165 = arith.constant 0 : i32
    %swap3A_166 = arith.index_cast %swap3A_165 : i32 to index
    %swap3A_167 = arith.constant 96 : index
    %swap3A_168 = tpu.vector_load %arg8[%swap3A_166, %swap3A_167] {strides = array<i32>} : memref<4x128xi32, #tpu.memory_space<vmem>>, vector<16xi32>,
    tpu.vector_store %arg8[%swap3A_166, %swap3A_167], %sub3A_164 {strides = array<i32>} : memref<4x128xi32, #tpu.memory_space<vmem>>, vector<16xi32>,
    %get3A_169 = arith.constant 0 : i32
    %get3A_170 = arith.index_cast %get3A_169 : i32 to index
    %get3A_171 = arith.constant 112 : index
    %get3A_172 = tpu.vector_load %arg7[%get3A_170, %get3A_171] {strides = array<i32>} : memref<4x128xi32, #tpu.memory_space<vmem>>, vector<16xi32>,
    %sub3A_173 = arith.constant 1 : i32
    %sub3A_174 = vector.broadcast %sub3A_173 : i32 to vector<16xi32>
    %sub3A_175 = arith.subi %get3A_172, %sub3A_174 : vector<16xi32>
    %swap3A_176 = arith.constant 0 : i32
    %swap3A_177 = arith.index_cast %swap3A_176 : i32 to index
    %swap3A_178 = arith.constant 112 : index
    %swap3A_179 = tpu.vector_load %arg7[%swap3A_177, %swap3A_178] {strides = array<i32>} : memref<4x128xi32, #tpu.memory_space<vmem>>, vector<16xi32>,
    tpu.vector_store %arg7[%swap3A_177, %swap3A_178], %sub3A_175 {strides = array<i32>} : memref<4x128xi32, #tpu.memory_space<vmem>>, vector<16xi32>,
    %get3A_180 = arith.constant 0 : i32
    %get3A_181 = arith.index_cast %get3A_180 : i32 to index
    %get3A_182 = arith.constant 112 : index
    %get3A_183 = tpu.vector_load %arg8[%get3A_181, %get3A_182] {strides = array<i32>} : memref<4x128xi32, #tpu.memory_space<vmem>>, vector<16xi32>,
    %sub3A_184 = arith.constant 1 : i32
    %sub3A_185 = vector.broadcast %sub3A_184 : i32 to vector<16xi32>
    %sub3A_186 = arith.subi %get3A_183, %sub3A_185 : vector<16xi32>
    %swap3A_187 = arith.constant 0 : i32
    %swap3A_188 = arith.index_cast %swap3A_187 : i32 to index
    %swap3A_189 = arith.constant 112 : index
    %swap3A_190 = tpu.vector_load %arg8[%swap3A_188, %swap3A_189] {strides = array<i32>} : memref<4x128xi32, #tpu.memory_space<vmem>>, vector<16xi32>,
    tpu.vector_store %arg8[%swap3A_188, %swap3A_189], %sub3A_186 {strides = array<i32>} : memref<4x128xi32, #tpu.memory_space<vmem>>, vector<16xi32>,
    %get3A_191 = arith.constant 1 : i32
    %get3A_192 = arith.index_cast %get3A_191 : i32 to index
    %get3A_193 = arith.constant 0 : index
    %get3A_194 = tpu.vector_load %arg7[%get3A_192, %get3A_193] {strides = array<i32>} : memref<4x128xi32, #tpu.memory_space<vmem>>, vector<16xi32>,
    %sub3A_195 = arith.constant 1 : i32
    %sub3A_196 = vector.broadcast %sub3A_195 : i32 to vector<16xi32>
    %sub3A_197 = arith.subi %get3A_194, %sub3A_196 : vector<16xi32>
    %swap3A_198 = arith.constant 1 : i32
    %swap3A_199 = arith.index_cast %swap3A_198 : i32 to index
    %swap3A_200 = arith.constant 0 : index
    %swap3A_201 = tpu.vector_load %arg7[%swap3A_199, %swap3A_200] {strides = array<i32>} : memref<4x128xi32, #tpu.memory_space<vmem>>, vector<16xi32>,
    tpu.vector_store %arg7[%swap3A_199, %swap3A_200], %sub3A_197 {strides = array<i32>} : memref<4x128xi32, #tpu.memory_space<vmem>>, vector<16xi32>,
    %get3A_202 = arith.constant 1 : i32
    %get3A_203 = arith.index_cast %get3A_202 : i32 to index
    %get3A_204 = arith.constant 0 : index
    %get3A_205 = tpu.vector_load %arg8[%get3A_203, %get3A_204] {strides = array<i32>} : memref<4x128xi32, #tpu.memory_space<vmem>>, vector<16xi32>,
    %sub3A_206 = arith.constant 1 : i32
    %sub3A_207 = vector.broadcast %sub3A_206 : i32 to vector<16xi32>
    %sub3A_208 = arith.subi %get3A_205, %sub3A_207 : vector<16xi32>
    %swap3A_209 = arith.constant 1 : i32
    %swap3A_210 = arith.index_cast %swap3A_209 : i32 to index
    %swap3A_211 = arith.constant 0 : index
    %swap3A_212 = tpu.vector_load %arg8[%swap3A_210, %swap3A_211] {strides = array<i32>} : memref<4x128xi32, #tpu.memory_space<vmem>>, vector<16xi32>,
    tpu.vector_store %arg8[%swap3A_210, %swap3A_211], %sub3A_208 {strides = array<i32>} : memref<4x128xi32, #tpu.memory_space<vmem>>, vector<16xi32>,
    %get3A_213 = arith.constant 1 : i32
    %get3A_214 = arith.index_cast %get3A_213 : i32 to index
    %get3A_215 = arith.constant 16 : index
    %get3A_216 = tpu.vector_load %arg7[%get3A_214, %get3A_215] {strides = array<i32>} : memref<4x128xi32, #tpu.memory_space<vmem>>, vector<16xi32>,
    %sub3A_217 = arith.constant 1 : i32
    %sub3A_218 = vector.broadcast %sub3A_217 : i32 to vector<16xi32>
    %sub3A_219 = arith.subi %get3A_216, %sub3A_218 : vector<16xi32>
    %swap3A_220 = arith.constant 1 : i32
    %swap3A_221 = arith.index_cast %swap3A_220 : i32 to index
    %swap3A_222 = arith.constant 16 : index
    %swap3A_223 = tpu.vector_load %arg7[%swap3A_221, %swap3A_222] {strides = array<i32>} : memref<4x128xi32, #tpu.memory_space<vmem>>, vector<16xi32>,
    tpu.vector_store %arg7[%swap3A_221, %swap3A_222], %sub3A_219 {strides = array<i32>} : memref<4x128xi32, #tpu.memory_space<vmem>>, vector<16xi32>,
    %get3A_224 = arith.constant 1 : i32
    %get3A_225 = arith.index_cast %get3A_224 : i32 to index
    %get3A_226 = arith.constant 16 : index
    %get3A_227 = tpu.vector_load %arg8[%get3A_225, %get3A_226] {strides = array<i32>} : memref<4x128xi32, #tpu.memory_space<vmem>>, vector<16xi32>,
    %sub3A_228 = arith.constant 1 : i32
    %sub3A_229 = vector.broadcast %sub3A_228 : i32 to vector<16xi32>
    %sub3A_230 = arith.subi %get3A_227, %sub3A_229 : vector<16xi32>
    %swap3A_231 = arith.constant 1 : i32
    %swap3A_232 = arith.index_cast %swap3A_231 : i32 to index
    %swap3A_233 = arith.constant 16 : index
    %swap3A_234 = tpu.vector_load %arg8[%swap3A_232, %swap3A_233] {strides = array<i32>} : memref<4x128xi32, #tpu.memory_space<vmem>>, vector<16xi32>,
    tpu.vector_store %arg8[%swap3A_232, %swap3A_233], %sub3A_230 {strides = array<i32>} : memref<4x128xi32, #tpu.memory_space<vmem>>, vector<16xi32>,
    %get3A_235 = arith.constant 1 : i32
    %get3A_236 = arith.index_cast %get3A_235 : i32 to index
    %get3A_237 = arith.constant 32 : index
    %get3A_238 = tpu.vector_load %arg7[%get3A_236, %get3A_237] {strides = array<i32>} : memref<4x128xi32, #tpu.memory_space<vmem>>, vector<16xi32>,
    %sub3A_239 = arith.constant 1 : i32
    %sub3A_240 = vector.broadcast %sub3A_239 : i32 to vector<16xi32>
    %sub3A_241 = arith.subi %get3A_238, %sub3A_240 : vector<16xi32>
    %swap3A_242 = arith.constant 1 : i32
    %swap3A_243 = arith.index_cast %swap3A_242 : i32 to index
    %swap3A_244 = arith.constant 32 : index
    %swap3A_245 = tpu.vector_load %arg7[%swap3A_243, %swap3A_244] {strides = array<i32>} : memref<4x128xi32, #tpu.memory_space<vmem>>, vector<16xi32>,
    tpu.vector_store %arg7[%swap3A_243, %swap3A_244], %sub3A_241 {strides = array<i32>} : memref<4x128xi32, #tpu.memory_space<vmem>>, vector<16xi32>,
    %get3A_246 = arith.constant 1 : i32
    %get3A_247 = arith.index_cast %get3A_246 : i32 to index
    %get3A_248 = arith.constant 32 : index
    %get3A_249 = tpu.vector_load %arg8[%get3A_247, %get3A_248] {strides = array<i32>} : memref<4x128xi32, #tpu.memory_space<vmem>>, vector<16xi32>,
    %sub3A_250 = arith.constant 1 : i32
    %sub3A_251 = vector.broadcast %sub3A_250 : i32 to vector<16xi32>
    %sub3A_252 = arith.subi %get3A_249, %sub3A_251 : vector<16xi32>
    %swap3A_253 = arith.constant 1 : i32
    %swap3A_254 = arith.index_cast %swap3A_253 : i32 to index
    %swap3A_255 = arith.constant 32 : index
    %swap3A_256 = tpu.vector_load %arg8[%swap3A_254, %swap3A_255] {strides = array<i32>} : memref<4x128xi32, #tpu.memory_space<vmem>>, vector<16xi32>,
    tpu.vector_store %arg8[%swap3A_254, %swap3A_255], %sub3A_252 {strides = array<i32>} : memref<4x128xi32, #tpu.memory_space<vmem>>, vector<16xi32>,
    %get3A_257 = arith.constant 1 : i32
    %get3A_258 = arith.index_cast %get3A_257 : i32 to index
    %get3A_259 = arith.constant 48 : index
    %get3A_260 = tpu.vector_load %arg7[%get3A_258, %get3A_259] {strides = array<i32>} : memref<4x128xi32, #tpu.memory_space<vmem>>, vector<16xi32>,
    %sub3A_261 = arith.constant 1 : i32
    %sub3A_262 = vector.broadcast %sub3A_261 : i32 to vector<16xi32>
    %sub3A_263 = arith.subi %get3A_260, %sub3A_262 : vector<16xi32>
    %swap3A_264 = arith.constant 1 : i32
    %swap3A_265 = arith.index_cast %swap3A_264 : i32 to index
    %swap3A_266 = arith.constant 48 : index
    %swap3A_267 = tpu.vector_load %arg7[%swap3A_265, %swap3A_266] {strides = array<i32>} : memref<4x128xi32, #tpu.memory_space<vmem>>, vector<16xi32>,
    tpu.vector_store %arg7[%swap3A_265, %swap3A_266], %sub3A_263 {strides = array<i32>} : memref<4x128xi32, #tpu.memory_space<vmem>>, vector<16xi32>,
    %get3A_268 = arith.constant 1 : i32
    %get3A_269 = arith.index_cast %get3A_268 : i32 to index
    %get3A_270 = arith.constant 48 : index
    %get3A_271 = tpu.vector_load %arg8[%get3A_269, %get3A_270] {strides = array<i32>} : memref<4x128xi32, #tpu.memory_space<vmem>>, vector<16xi32>,
    %sub3A_272 = arith.constant 1 : i32
    %sub3A_273 = vector.broadcast %sub3A_272 : i32 to vector<16xi32>
    %sub3A_274 = arith.subi %get3A_271, %sub3A_273 : vector<16xi32>
    %swap3A_275 = arith.constant 1 : i32
    %swap3A_276 = arith.index_cast %swap3A_275 : i32 to index
    %swap3A_277 = arith.constant 48 : index
    %swap3A_278 = tpu.vector_load %arg8[%swap3A_276, %swap3A_277] {strides = array<i32>} : memref<4x128xi32, #tpu.memory_space<vmem>>, vector<16xi32>,
    tpu.vector_store %arg8[%swap3A_276, %swap3A_277], %sub3A_274 {strides = array<i32>} : memref<4x128xi32, #tpu.memory_space<vmem>>, vector<16xi32>,
    %get3A_279 = arith.constant 1 : i32
    %get3A_280 = arith.index_cast %get3A_279 : i32 to index
    %get3A_281 = arith.constant 64 : index
    %get3A_282 = tpu.vector_load %arg7[%get3A_280, %get3A_281] {strides = array<i32>} : memref<4x128xi32, #tpu.memory_space<vmem>>, vector<16xi32>,
    %sub3A_283 = arith.constant 1 : i32
    %sub3A_284 = vector.broadcast %sub3A_283 : i32 to vector<16xi32>
    %sub3A_285 = arith.subi %get3A_282, %sub3A_284 : vector<16xi32>
    %swap3A_286 = arith.constant 1 : i32
    %swap3A_287 = arith.index_cast %swap3A_286 : i32 to index
    %swap3A_288 = arith.constant 64 : index
    %swap3A_289 = tpu.vector_load %arg7[%swap3A_287, %swap3A_288] {strides = array<i32>} : memref<4x128xi32, #tpu.memory_space<vmem>>, vector<16xi32>,
    tpu.vector_store %arg7[%swap3A_287, %swap3A_288], %sub3A_285 {strides = array<i32>} : memref<4x128xi32, #tpu.memory_space<vmem>>, vector<16xi32>,
    %get3A_290 = arith.constant 1 : i32
    %get3A_291 = arith.index_cast %get3A_290 : i32 to index
    %get3A_292 = arith.constant 64 : index
    %get3A_293 = tpu.vector_load %arg8[%get3A_291, %get3A_292] {strides = array<i32>} : memref<4x128xi32, #tpu.memory_space<vmem>>, vector<16xi32>,
    %sub3A_294 = arith.constant 1 : i32
    %sub3A_295 = vector.broadcast %sub3A_294 : i32 to vector<16xi32>
    %sub3A_296 = arith.subi %get3A_293, %sub3A_295 : vector<16xi32>
    %swap3A_297 = arith.constant 1 : i32
    %swap3A_298 = arith.index_cast %swap3A_297 : i32 to index
    %swap3A_299 = arith.constant 64 : index
    %swap3A_300 = tpu.vector_load %arg8[%swap3A_298, %swap3A_299] {strides = array<i32>} : memref<4x128xi32, #tpu.memory_space<vmem>>, vector<16xi32>,
    tpu.vector_store %arg8[%swap3A_298, %swap3A_299], %sub3A_296 {strides = array<i32>} : memref<4x128xi32, #tpu.memory_space<vmem>>, vector<16xi32>,
    %get3A_301 = arith.constant 1 : i32
    %get3A_302 = arith.index_cast %get3A_301 : i32 to index
    %get3A_303 = arith.constant 80 : index
    %get3A_304 = tpu.vector_load %arg7[%get3A_302, %get3A_303] {strides = array<i32>} : memref<4x128xi32, #tpu.memory_space<vmem>>, vector<16xi32>,
    %sub3A_305 = arith.constant 1 : i32
    %sub3A_306 = vector.broadcast %sub3A_305 : i32 to vector<16xi32>
    %sub3A_307 = arith.subi %get3A_304, %sub3A_306 : vector<16xi32>
    %swap3A_308 = arith.constant 1 : i32
    %swap3A_309 = arith.index_cast %swap3A_308 : i32 to index
    %swap3A_310 = arith.constant 80 : index
    %swap3A_311 = tpu.vector_load %arg7[%swap3A_309, %swap3A_310] {strides = array<i32>} : memref<4x128xi32, #tpu.memory_space<vmem>>, vector<16xi32>,
    tpu.vector_store %arg7[%swap3A_309, %swap3A_310], %sub3A_307 {strides = array<i32>} : memref<4x128xi32, #tpu.memory_space<vmem>>, vector<16xi32>,
    %get3A_312 = arith.constant 1 : i32
    %get3A_313 = arith.index_cast %get3A_312 : i32 to index
    %get3A_314 = arith.constant 80 : index
    %get3A_315 = tpu.vector_load %arg8[%get3A_313, %get3A_314] {strides = array<i32>} : memref<4x128xi32, #tpu.memory_space<vmem>>, vector<16xi32>,
    %sub3A_316 = arith.constant 1 : i32
    %sub3A_317 = vector.broadcast %sub3A_316 : i32 to vector<16xi32>
    %sub3A_318 = arith.subi %get3A_315, %sub3A_317 : vector<16xi32>
    %swap3A_319 = arith.constant 1 : i32
    %swap3A_320 = arith.index_cast %swap3A_319 : i32 to index
    %swap3A_321 = arith.constant 80 : index
    %swap3A_322 = tpu.vector_load %arg8[%swap3A_320, %swap3A_321] {strides = array<i32>} : memref<4x128xi32, #tpu.memory_space<vmem>>, vector<16xi32>,
    tpu.vector_store %arg8[%swap3A_320, %swap3A_321], %sub3A_318 {strides = array<i32>} : memref<4x128xi32, #tpu.memory_space<vmem>>, vector<16xi32>,
    %get3A_323 = arith.constant 1 : i32
    %get3A_324 = arith.index_cast %get3A_323 : i32 to index
    %get3A_325 = arith.constant 96 : index
    %get3A_326 = tpu.vector_load %arg7[%get3A_324, %get3A_325] {strides = array<i32>} : memref<4x128xi32, #tpu.memory_space<vmem>>, vector<16xi32>,
    %sub3A_327 = arith.constant 1 : i32
    %sub3A_328 = vector.broadcast %sub3A_327 : i32 to vector<16xi32>
    %sub3A_329 = arith.subi %get3A_326, %sub3A_328 : vector<16xi32>
    %swap3A_330 = arith.constant 1 : i32
    %swap3A_331 = arith.index_cast %swap3A_330 : i32 to index
    %swap3A_332 = arith.constant 96 : index
    %swap3A_333 = tpu.vector_load %arg7[%swap3A_331, %swap3A_332] {strides = array<i32>} : memref<4x128xi32, #tpu.memory_space<vmem>>, vector<16xi32>,
    tpu.vector_store %arg7[%swap3A_331, %swap3A_332], %sub3A_329 {strides = array<i32>} : memref<4x128xi32, #tpu.memory_space<vmem>>, vector<16xi32>,
    %get3A_334 = arith.constant 1 : i32
    %get3A_335 = arith.index_cast %get3A_334 : i32 to index
    %get3A_336 = arith.constant 96 : index
    %get3A_337 = tpu.vector_load %arg8[%get3A_335, %get3A_336] {strides = array<i32>} : memref<4x128xi32, #tpu.memory_space<vmem>>, vector<16xi32>,
    %sub3A_338 = arith.constant 1 : i32
    %sub3A_339 = vector.broadcast %sub3A_338 : i32 to vector<16xi32>
    %sub3A_340 = arith.subi %get3A_337, %sub3A_339 : vector<16xi32>
    %swap3A_341 = arith.constant 1 : i32
    %swap3A_342 = arith.index_cast %swap3A_341 : i32 to index
    %swap3A_343 = arith.constant 96 : index
    %swap3A_344 = tpu.vector_load %arg8[%swap3A_342, %swap3A_343] {strides = array<i32>} : memref<4x128xi32, #tpu.memory_space<vmem>>, vector<16xi32>,
    tpu.vector_store %arg8[%swap3A_342, %swap3A_343], %sub3A_340 {strides = array<i32>} : memref<4x128xi32, #tpu.memory_space<vmem>>, vector<16xi32>,
    %get3A_345 = arith.constant 1 : i32
    %get3A_346 = arith.index_cast %get3A_345 : i32 to index
    %get3A_347 = arith.constant 112 : index
    %get3A_348 = tpu.vector_load %arg7[%get3A_346, %get3A_347] {strides = array<i32>} : memref<4x128xi32, #tpu.memory_space<vmem>>, vector<16xi32>,
    %sub3A_349 = arith.constant 1 : i32
    %sub3A_350 = vector.broadcast %sub3A_349 : i32 to vector<16xi32>
    %sub3A_351 = arith.subi %get3A_348, %sub3A_350 : vector<16xi32>
    %swap3A_352 = arith.constant 1 : i32
    %swap3A_353 = arith.index_cast %swap3A_352 : i32 to index
    %swap3A_354 = arith.constant 112 : index
    %swap3A_355 = tpu.vector_load %arg7[%swap3A_353, %swap3A_354] {strides = array<i32>} : memref<4x128xi32, #tpu.memory_space<vmem>>, vector<16xi32>,
    tpu.vector_store %arg7[%swap3A_353, %swap3A_354], %sub3A_351 {strides = array<i32>} : memref<4x128xi32, #tpu.memory_space<vmem>>, vector<16xi32>,
    %get3A_356 = arith.constant 1 : i32
    %get3A_357 = arith.index_cast %get3A_356 : i32 to index
    %get3A_358 = arith.constant 112 : index
    %get3A_359 = tpu.vector_load %arg8[%get3A_357, %get3A_358] {strides = array<i32>} : memref<4x128xi32, #tpu.memory_space<vmem>>, vector<16xi32>,
    %sub3A_360 = arith.constant 1 : i32
    %sub3A_361 = vector.broadcast %sub3A_360 : i32 to vector<16xi32>
    %sub3A_362 = arith.subi %get3A_359, %sub3A_361 : vector<16xi32>
    %swap3A_363 = arith.constant 1 : i32
    %swap3A_364 = arith.index_cast %swap3A_363 : i32 to index
    %swap3A_365 = arith.constant 112 : index
    %swap3A_366 = tpu.vector_load %arg8[%swap3A_364, %swap3A_365] {strides = array<i32>} : memref<4x128xi32, #tpu.memory_space<vmem>>, vector<16xi32>,
    tpu.vector_store %arg8[%swap3A_364, %swap3A_365], %sub3A_362 {strides = array<i32>} : memref<4x128xi32, #tpu.memory_space<vmem>>, vector<16xi32>,
    %get3A_367 = arith.constant 2 : i32
    %get3A_368 = arith.index_cast %get3A_367 : i32 to index
    %get3A_369 = arith.constant 0 : index
    %get3A_370 = tpu.vector_load %arg7[%get3A_368, %get3A_369] {strides = array<i32>} : memref<4x128xi32, #tpu.memory_space<vmem>>, vector<16xi32>,
    %sub3A_371 = arith.constant 1 : i32
    %sub3A_372 = vector.broadcast %sub3A_371 : i32 to vector<16xi32>
    %sub3A_373 = arith.subi %get3A_370, %sub3A_372 : vector<16xi32>
    %swap3A_374 = arith.constant 2 : i32
    %swap3A_375 = arith.index_cast %swap3A_374 : i32 to index
    %swap3A_376 = arith.constant 0 : index
    %swap3A_377 = tpu.vector_load %arg7[%swap3A_375, %swap3A_376] {strides = array<i32>} : memref<4x128xi32, #tpu.memory_space<vmem>>, vector<16xi32>,
    tpu.vector_store %arg7[%swap3A_375, %swap3A_376], %sub3A_373 {strides = array<i32>} : memref<4x128xi32, #tpu.memory_space<vmem>>, vector<16xi32>,
    %get3A_378 = arith.constant 2 : i32
    %get3A_379 = arith.index_cast %get3A_378 : i32 to index
    %get3A_380 = arith.constant 0 : index
    %get3A_381 = tpu.vector_load %arg8[%get3A_379, %get3A_380] {strides = array<i32>} : memref<4x128xi32, #tpu.memory_space<vmem>>, vector<16xi32>,
    %sub3A_382 = arith.constant 1 : i32
    %sub3A_383 = vector.broadcast %sub3A_382 : i32 to vector<16xi32>
    %sub3A_384 = arith.subi %get3A_381, %sub3A_383 : vector<16xi32>
    %swap3A_385 = arith.constant 2 : i32
    %swap3A_386 = arith.index_cast %swap3A_385 : i32 to index
    %swap3A_387 = arith.constant 0 : index
    %swap3A_388 = tpu.vector_load %arg8[%swap3A_386, %swap3A_387] {strides = array<i32>} : memref<4x128xi32, #tpu.memory_space<vmem>>, vector<16xi32>,
    tpu.vector_store %arg8[%swap3A_386, %swap3A_387], %sub3A_384 {strides = array<i32>} : memref<4x128xi32, #tpu.memory_space<vmem>>, vector<16xi32>,
    %get3A_389 = arith.constant 2 : i32
    %get3A_390 = arith.index_cast %get3A_389 : i32 to index
    %get3A_391 = arith.constant 16 : index
    %get3A_392 = tpu.vector_load %arg7[%get3A_390, %get3A_391] {strides = array<i32>} : memref<4x128xi32, #tpu.memory_space<vmem>>, vector<16xi32>,
    %sub3A_393 = arith.constant 1 : i32
    %sub3A_394 = vector.broadcast %sub3A_393 : i32 to vector<16xi32>
    %sub3A_395 = arith.subi %get3A_392, %sub3A_394 : vector<16xi32>
    %swap3A_396 = arith.constant 2 : i32
    %swap3A_397 = arith.index_cast %swap3A_396 : i32 to index
    %swap3A_398 = arith.constant 16 : index
    %swap3A_399 = tpu.vector_load %arg7[%swap3A_397, %swap3A_398] {strides = array<i32>} : memref<4x128xi32, #tpu.memory_space<vmem>>, vector<16xi32>,
    tpu.vector_store %arg7[%swap3A_397, %swap3A_398], %sub3A_395 {strides = array<i32>} : memref<4x128xi32, #tpu.memory_space<vmem>>, vector<16xi32>,
    %get3A_400 = arith.constant 2 : i32
    %get3A_401 = arith.index_cast %get3A_400 : i32 to index
    %get3A_402 = arith.constant 16 : index
    %get3A_403 = tpu.vector_load %arg8[%get3A_401, %get3A_402] {strides = array<i32>} : memref<4x128xi32, #tpu.memory_space<vmem>>, vector<16xi32>,
    %sub3A_404 = arith.constant 1 : i32
    %sub3A_405 = vector.broadcast %sub3A_404 : i32 to vector<16xi32>
    %sub3A_406 = arith.subi %get3A_403, %sub3A_405 : vector<16xi32>
    %swap3A_407 = arith.constant 2 : i32
    %swap3A_408 = arith.index_cast %swap3A_407 : i32 to index
    %swap3A_409 = arith.constant 16 : index
    %swap3A_410 = tpu.vector_load %arg8[%swap3A_408, %swap3A_409] {strides = array<i32>} : memref<4x128xi32, #tpu.memory_space<vmem>>, vector<16xi32>,
    tpu.vector_store %arg8[%swap3A_408, %swap3A_409], %sub3A_406 {strides = array<i32>} : memref<4x128xi32, #tpu.memory_space<vmem>>, vector<16xi32>,
    %get3A_411 = arith.constant 2 : i32
    %get3A_412 = arith.index_cast %get3A_411 : i32 to index
    %get3A_413 = arith.constant 32 : index
    %get3A_414 = tpu.vector_load %arg7[%get3A_412, %get3A_413] {strides = array<i32>} : memref<4x128xi32, #tpu.memory_space<vmem>>, vector<16xi32>,
    %sub3A_415 = arith.constant 1 : i32
    %sub3A_416 = vector.broadcast %sub3A_415 : i32 to vector<16xi32>
    %sub3A_417 = arith.subi %get3A_414, %sub3A_416 : vector<16xi32>
    %swap3A_418 = arith.constant 2 : i32
    %swap3A_419 = arith.index_cast %swap3A_418 : i32 to index
    %swap3A_420 = arith.constant 32 : index
    %swap3A_421 = tpu.vector_load %arg7[%swap3A_419, %swap3A_420] {strides = array<i32>} : memref<4x128xi32, #tpu.memory_space<vmem>>, vector<16xi32>,
    tpu.vector_store %arg7[%swap3A_419, %swap3A_420], %sub3A_417 {strides = array<i32>} : memref<4x128xi32, #tpu.memory_space<vmem>>, vector<16xi32>,
    %get3A_422 = arith.constant 2 : i32
    %get3A_423 = arith.index_cast %get3A_422 : i32 to index
    %get3A_424 = arith.constant 32 : index
    %get3A_425 = tpu.vector_load %arg8[%get3A_423, %get3A_424] {strides = array<i32>} : memref<4x128xi32, #tpu.memory_space<vmem>>, vector<16xi32>,
    %sub3A_426 = arith.constant 1 : i32
    %sub3A_427 = vector.broadcast %sub3A_426 : i32 to vector<16xi32>
    %sub3A_428 = arith.subi %get3A_425, %sub3A_427 : vector<16xi32>
    %swap3A_429 = arith.constant 2 : i32
    %swap3A_430 = arith.index_cast %swap3A_429 : i32 to index
    %swap3A_431 = arith.constant 32 : index
    %swap3A_432 = tpu.vector_load %arg8[%swap3A_430, %swap3A_431] {strides = array<i32>} : memref<4x128xi32, #tpu.memory_space<vmem>>, vector<16xi32>,
    tpu.vector_store %arg8[%swap3A_430, %swap3A_431], %sub3A_428 {strides = array<i32>} : memref<4x128xi32, #tpu.memory_space<vmem>>, vector<16xi32>,
    %get3A_433 = arith.constant 2 : i32
    %get3A_434 = arith.index_cast %get3A_433 : i32 to index
    %get3A_435 = arith.constant 48 : index
    %get3A_436 = tpu.vector_load %arg7[%get3A_434, %get3A_435] {strides = array<i32>} : memref<4x128xi32, #tpu.memory_space<vmem>>, vector<16xi32>,
    %sub3A_437 = arith.constant 1 : i32
    %sub3A_438 = vector.broadcast %sub3A_437 : i32 to vector<16xi32>
    %sub3A_439 = arith.subi %get3A_436, %sub3A_438 : vector<16xi32>
    %swap3A_440 = arith.constant 2 : i32
    %swap3A_441 = arith.index_cast %swap3A_440 : i32 to index
    %swap3A_442 = arith.constant 48 : index
    %swap3A_443 = tpu.vector_load %arg7[%swap3A_441, %swap3A_442] {strides = array<i32>} : memref<4x128xi32, #tpu.memory_space<vmem>>, vector<16xi32>,
    tpu.vector_store %arg7[%swap3A_441, %swap3A_442], %sub3A_439 {strides = array<i32>} : memref<4x128xi32, #tpu.memory_space<vmem>>, vector<16xi32>,
    %get3A_444 = arith.constant 2 : i32
    %get3A_445 = arith.index_cast %get3A_444 : i32 to index
    %get3A_446 = arith.constant 48 : index
    %get3A_447 = tpu.vector_load %arg8[%get3A_445, %get3A_446] {strides = array<i32>} : memref<4x128xi32, #tpu.memory_space<vmem>>, vector<16xi32>,
    %sub3A_448 = arith.constant 1 : i32
    %sub3A_449 = vector.broadcast %sub3A_448 : i32 to vector<16xi32>
    %sub3A_450 = arith.subi %get3A_447, %sub3A_449 : vector<16xi32>
    %swap3A_451 = arith.constant 2 : i32
    %swap3A_452 = arith.index_cast %swap3A_451 : i32 to index
    %swap3A_453 = arith.constant 48 : index
    %swap3A_454 = tpu.vector_load %arg8[%swap3A_452, %swap3A_453] {strides = array<i32>} : memref<4x128xi32, #tpu.memory_space<vmem>>, vector<16xi32>,
    tpu.vector_store %arg8[%swap3A_452, %swap3A_453], %sub3A_450 {strides = array<i32>} : memref<4x128xi32, #tpu.memory_space<vmem>>, vector<16xi32>,
    %get3A_455 = arith.constant 2 : i32
    %get3A_456 = arith.index_cast %get3A_455 : i32 to index
    %get3A_457 = arith.constant 64 : index
    %get3A_458 = tpu.vector_load %arg7[%get3A_456, %get3A_457] {strides = array<i32>} : memref<4x128xi32, #tpu.memory_space<vmem>>, vector<16xi32>,
    %sub3A_459 = arith.constant 1 : i32
    %sub3A_460 = vector.broadcast %sub3A_459 : i32 to vector<16xi32>
    %sub3A_461 = arith.subi %get3A_458, %sub3A_460 : vector<16xi32>
    %swap3A_462 = arith.constant 2 : i32
    %swap3A_463 = arith.index_cast %swap3A_462 : i32 to index
    %swap3A_464 = arith.constant 64 : index
    %swap3A_465 = tpu.vector_load %arg7[%swap3A_463, %swap3A_464] {strides = array<i32>} : memref<4x128xi32, #tpu.memory_space<vmem>>, vector<16xi32>,
    tpu.vector_store %arg7[%swap3A_463, %swap3A_464], %sub3A_461 {strides = array<i32>} : memref<4x128xi32, #tpu.memory_space<vmem>>, vector<16xi32>,
    %get3A_466 = arith.constant 2 : i32
    %get3A_467 = arith.index_cast %get3A_466 : i32 to index
    %get3A_468 = arith.constant 64 : index
    %get3A_469 = tpu.vector_load %arg8[%get3A_467, %get3A_468] {strides = array<i32>} : memref<4x128xi32, #tpu.memory_space<vmem>>, vector<16xi32>,
    %sub3A_470 = arith.constant 1 : i32
    %sub3A_471 = vector.broadcast %sub3A_470 : i32 to vector<16xi32>
    %sub3A_472 = arith.subi %get3A_469, %sub3A_471 : vector<16xi32>
    %swap3A_473 = arith.constant 2 : i32
    %swap3A_474 = arith.index_cast %swap3A_473 : i32 to index
    %swap3A_475 = arith.constant 64 : index
    %swap3A_476 = tpu.vector_load %arg8[%swap3A_474, %swap3A_475] {strides = array<i32>} : memref<4x128xi32, #tpu.memory_space<vmem>>, vector<16xi32>,
    tpu.vector_store %arg8[%swap3A_474, %swap3A_475], %sub3A_472 {strides = array<i32>} : memref<4x128xi32, #tpu.memory_space<vmem>>, vector<16xi32>,
    %get3A_477 = arith.constant 2 : i32
    %get3A_478 = arith.index_cast %get3A_477 : i32 to index
    %get3A_479 = arith.constant 80 : index
    %get3A_480 = tpu.vector_load %arg7[%get3A_478, %get3A_479] {strides = array<i32>} : memref<4x128xi32, #tpu.memory_space<vmem>>, vector<16xi32>,
    %sub3A_481 = arith.constant 1 : i32
    %sub3A_482 = vector.broadcast %sub3A_481 : i32 to vector<16xi32>
    %sub3A_483 = arith.subi %get3A_480, %sub3A_482 : vector<16xi32>
    %swap3A_484 = arith.constant 2 : i32
    %swap3A_485 = arith.index_cast %swap3A_484 : i32 to index
    %swap3A_486 = arith.constant 80 : index
    %swap3A_487 = tpu.vector_load %arg7[%swap3A_485, %swap3A_486] {strides = array<i32>} : memref<4x128xi32, #tpu.memory_space<vmem>>, vector<16xi32>,
    tpu.vector_store %arg7[%swap3A_485, %swap3A_486], %sub3A_483 {strides = array<i32>} : memref<4x128xi32, #tpu.memory_space<vmem>>, vector<16xi32>,
    %get3A_488 = arith.constant 2 : i32
    %get3A_489 = arith.index_cast %get3A_488 : i32 to index
    %get3A_490 = arith.constant 80 : index
    %get3A_491 = tpu.vector_load %arg8[%get3A_489, %get3A_490] {strides = array<i32>} : memref<4x128xi32, #tpu.memory_space<vmem>>, vector<16xi32>,
    %sub3A_492 = arith.constant 1 : i32
    %sub3A_493 = vector.broadcast %sub3A_492 : i32 to vector<16xi32>
    %sub3A_494 = arith.subi %get3A_491, %sub3A_493 : vector<16xi32>
    %swap3A_495 = arith.constant 2 : i32
    %swap3A_496 = arith.index_cast %swap3A_495 : i32 to index
    %swap3A_497 = arith.constant 80 : index
    %swap3A_498 = tpu.vector_load %arg8[%swap3A_496, %swap3A_497] {strides = array<i32>} : memref<4x128xi32, #tpu.memory_space<vmem>>, vector<16xi32>,
    tpu.vector_store %arg8[%swap3A_496, %swap3A_497], %sub3A_494 {strides = array<i32>} : memref<4x128xi32, #tpu.memory_space<vmem>>, vector<16xi32>,
    %get3A_499 = arith.constant 2 : i32
    %get3A_500 = arith.index_cast %get3A_499 : i32 to index
    %get3A_501 = arith.constant 96 : index
    %get3A_502 = tpu.vector_load %arg7[%get3A_500, %get3A_501] {strides = array<i32>} : memref<4x128xi32, #tpu.memory_space<vmem>>, vector<16xi32>,
    %sub3A_503 = arith.constant 1 : i32
    %sub3A_504 = vector.broadcast %sub3A_503 : i32 to vector<16xi32>
    %sub3A_505 = arith.subi %get3A_502, %sub3A_504 : vector<16xi32>
    %swap3A_506 = arith.constant 2 : i32
    %swap3A_507 = arith.index_cast %swap3A_506 : i32 to index
    %swap3A_508 = arith.constant 96 : index
    %swap3A_509 = tpu.vector_load %arg7[%swap3A_507, %swap3A_508] {strides = array<i32>} : memref<4x128xi32, #tpu.memory_space<vmem>>, vector<16xi32>,
    tpu.vector_store %arg7[%swap3A_507, %swap3A_508], %sub3A_505 {strides = array<i32>} : memref<4x128xi32, #tpu.memory_space<vmem>>, vector<16xi32>,
    %get3A_510 = arith.constant 2 : i32
    %get3A_511 = arith.index_cast %get3A_510 : i32 to index
    %get3A_512 = arith.constant 96 : index
    %get3A_513 = tpu.vector_load %arg8[%get3A_511, %get3A_512] {strides = array<i32>} : memref<4x128xi32, #tpu.memory_space<vmem>>, vector<16xi32>,
    %sub3A_514 = arith.constant 1 : i32
    %sub3A_515 = vector.broadcast %sub3A_514 : i32 to vector<16xi32>
    %sub3A_516 = arith.subi %get3A_513, %sub3A_515 : vector<16xi32>
    %swap3A_517 = arith.constant 2 : i32
    %swap3A_518 = arith.index_cast %swap3A_517 : i32 to index
    %swap3A_519 = arith.constant 96 : index
    %swap3A_520 = tpu.vector_load %arg8[%swap3A_518, %swap3A_519] {strides = array<i32>} : memref<4x128xi32, #tpu.memory_space<vmem>>, vector<16xi32>,
    tpu.vector_store %arg8[%swap3A_518, %swap3A_519], %sub3A_516 {strides = array<i32>} : memref<4x128xi32, #tpu.memory_space<vmem>>, vector<16xi32>,
    %get3A_521 = arith.constant 2 : i32
    %get3A_522 = arith.index_cast %get3A_521 : i32 to index
    %get3A_523 = arith.constant 112 : index
    %get3A_524 = tpu.vector_load %arg7[%get3A_522, %get3A_523] {strides = array<i32>} : memref<4x128xi32, #tpu.memory_space<vmem>>, vector<16xi32>,
    %sub3A_525 = arith.constant 1 : i32
    %sub3A_526 = vector.broadcast %sub3A_525 : i32 to vector<16xi32>
    %sub3A_527 = arith.subi %get3A_524, %sub3A_526 : vector<16xi32>
    %swap3A_528 = arith.constant 2 : i32
    %swap3A_529 = arith.index_cast %swap3A_528 : i32 to index
    %swap3A_530 = arith.constant 112 : index
    %swap3A_531 = tpu.vector_load %arg7[%swap3A_529, %swap3A_530] {strides = array<i32>} : memref<4x128xi32, #tpu.memory_space<vmem>>, vector<16xi32>,
    tpu.vector_store %arg7[%swap3A_529, %swap3A_530], %sub3A_527 {strides = array<i32>} : memref<4x128xi32, #tpu.memory_space<vmem>>, vector<16xi32>,
    %get3A_532 = arith.constant 2 : i32
    %get3A_533 = arith.index_cast %get3A_532 : i32 to index
    %get3A_534 = arith.constant 112 : index
    %get3A_535 = tpu.vector_load %arg8[%get3A_533, %get3A_534] {strides = array<i32>} : memref<4x128xi32, #tpu.memory_space<vmem>>, vector<16xi32>,
    %sub3A_536 = arith.constant 1 : i32
    %sub3A_537 = vector.broadcast %sub3A_536 : i32 to vector<16xi32>
    %sub3A_538 = arith.subi %get3A_535, %sub3A_537 : vector<16xi32>
    %swap3A_539 = arith.constant 2 : i32
    %swap3A_540 = arith.index_cast %swap3A_539 : i32 to index
    %swap3A_541 = arith.constant 112 : index
    %swap3A_542 = tpu.vector_load %arg8[%swap3A_540, %swap3A_541] {strides = array<i32>} : memref<4x128xi32, #tpu.memory_space<vmem>>, vector<16xi32>,
    tpu.vector_store %arg8[%swap3A_540, %swap3A_541], %sub3A_538 {strides = array<i32>} : memref<4x128xi32, #tpu.memory_space<vmem>>, vector<16xi32>,
    %get3A_543 = arith.constant 3 : i32
    %get3A_544 = arith.index_cast %get3A_543 : i32 to index
    %get3A_545 = arith.constant 0 : index
    %get3A_546 = tpu.vector_load %arg7[%get3A_544, %get3A_545] {strides = array<i32>} : memref<4x128xi32, #tpu.memory_space<vmem>>, vector<16xi32>,
    %sub3A_547 = arith.constant 1 : i32
    %sub3A_548 = vector.broadcast %sub3A_547 : i32 to vector<16xi32>
    %sub3A_549 = arith.subi %get3A_546, %sub3A_548 : vector<16xi32>
    %swap3A_550 = arith.constant 3 : i32
    %swap3A_551 = arith.index_cast %swap3A_550 : i32 to index
    %swap3A_552 = arith.constant 0 : index
    %swap3A_553 = tpu.vector_load %arg7[%swap3A_551, %swap3A_552] {strides = array<i32>} : memref<4x128xi32, #tpu.memory_space<vmem>>, vector<16xi32>,
    tpu.vector_store %arg7[%swap3A_551, %swap3A_552], %sub3A_549 {strides = array<i32>} : memref<4x128xi32, #tpu.memory_space<vmem>>, vector<16xi32>,
    %get3A_554 = arith.constant 3 : i32
    %get3A_555 = arith.index_cast %get3A_554 : i32 to index
    %get3A_556 = arith.constant 0 : index
    %get3A_557 = tpu.vector_load %arg8[%get3A_555, %get3A_556] {strides = array<i32>} : memref<4x128xi32, #tpu.memory_space<vmem>>, vector<16xi32>,
    %sub3A_558 = arith.constant 1 : i32
    %sub3A_559 = vector.broadcast %sub3A_558 : i32 to vector<16xi32>
    %sub3A_560 = arith.subi %get3A_557, %sub3A_559 : vector<16xi32>
    %swap3A_561 = arith.constant 3 : i32
    %swap3A_562 = arith.index_cast %swap3A_561 : i32 to index
    %swap3A_563 = arith.constant 0 : index
    %swap3A_564 = tpu.vector_load %arg8[%swap3A_562, %swap3A_563] {strides = array<i32>} : memref<4x128xi32, #tpu.memory_space<vmem>>, vector<16xi32>,
    tpu.vector_store %arg8[%swap3A_562, %swap3A_563], %sub3A_560 {strides = array<i32>} : memref<4x128xi32, #tpu.memory_space<vmem>>, vector<16xi32>,
    %get3A_565 = arith.constant 3 : i32
    %get3A_566 = arith.index_cast %get3A_565 : i32 to index
    %get3A_567 = arith.constant 16 : index
    %get3A_568 = tpu.vector_load %arg7[%get3A_566, %get3A_567] {strides = array<i32>} : memref<4x128xi32, #tpu.memory_space<vmem>>, vector<16xi32>,
    %sub3A_569 = arith.constant 1 : i32
    %sub3A_570 = vector.broadcast %sub3A_569 : i32 to vector<16xi32>
    %sub3A_571 = arith.subi %get3A_568, %sub3A_570 : vector<16xi32>
    %swap3A_572 = arith.constant 3 : i32
    %swap3A_573 = arith.index_cast %swap3A_572 : i32 to index
    %swap3A_574 = arith.constant 16 : index
    %swap3A_575 = tpu.vector_load %arg7[%swap3A_573, %swap3A_574] {strides = array<i32>} : memref<4x128xi32, #tpu.memory_space<vmem>>, vector<16xi32>,
    tpu.vector_store %arg7[%swap3A_573, %swap3A_574], %sub3A_571 {strides = array<i32>} : memref<4x128xi32, #tpu.memory_space<vmem>>, vector<16xi32>,
    %get3A_576 = arith.constant 3 : i32
    %get3A_577 = arith.index_cast %get3A_576 : i32 to index
    %get3A_578 = arith.constant 16 : index
    %get3A_579 = tpu.vector_load %arg8[%get3A_577, %get3A_578] {strides = array<i32>} : memref<4x128xi32, #tpu.memory_space<vmem>>, vector<16xi32>,
    %sub3A_580 = arith.constant 1 : i32
    %sub3A_581 = vector.broadcast %sub3A_580 : i32 to vector<16xi32>
    %sub3A_582 = arith.subi %get3A_579, %sub3A_581 : vector<16xi32>
    %swap3A_583 = arith.constant 3 : i32
    %swap3A_584 = arith.index_cast %swap3A_583 : i32 to index
    %swap3A_585 = arith.constant 16 : index
    %swap3A_586 = tpu.vector_load %arg8[%swap3A_584, %swap3A_585] {strides = array<i32>} : memref<4x128xi32, #tpu.memory_space<vmem>>, vector<16xi32>,
    tpu.vector_store %arg8[%swap3A_584, %swap3A_585], %sub3A_582 {strides = array<i32>} : memref<4x128xi32, #tpu.memory_space<vmem>>, vector<16xi32>,
    %get3A_587 = arith.constant 3 : i32
    %get3A_588 = arith.index_cast %get3A_587 : i32 to index
    %get3A_589 = arith.constant 32 : index
    %get3A_590 = tpu.vector_load %arg7[%get3A_588, %get3A_589] {strides = array<i32>} : memref<4x128xi32, #tpu.memory_space<vmem>>, vector<16xi32>,
    %sub3A_591 = arith.constant 1 : i32
    %sub3A_592 = vector.broadcast %sub3A_591 : i32 to vector<16xi32>
    %sub3A_593 = arith.subi %get3A_590, %sub3A_592 : vector<16xi32>
    %swap3A_594 = arith.constant 3 : i32
    %swap3A_595 = arith.index_cast %swap3A_594 : i32 to index
    %swap3A_596 = arith.constant 32 : index
    %swap3A_597 = tpu.vector_load %arg7[%swap3A_595, %swap3A_596] {strides = array<i32>} : memref<4x128xi32, #tpu.memory_space<vmem>>, vector<16xi32>,
    tpu.vector_store %arg7[%swap3A_595, %swap3A_596], %sub3A_593 {strides = array<i32>} : memref<4x128xi32, #tpu.memory_space<vmem>>, vector<16xi32>,
    %get3A_598 = arith.constant 3 : i32
    %get3A_599 = arith.index_cast %get3A_598 : i32 to index
    %get3A_600 = arith.constant 32 : index
    %get3A_601 = tpu.vector_load %arg8[%get3A_599, %get3A_600] {strides = array<i32>} : memref<4x128xi32, #tpu.memory_space<vmem>>, vector<16xi32>,
    %sub3A_602 = arith.constant 1 : i32
    %sub3A_603 = vector.broadcast %sub3A_602 : i32 to vector<16xi32>
    %sub3A_604 = arith.subi %get3A_601, %sub3A_603 : vector<16xi32>
    %swap3A_605 = arith.constant 3 : i32
    %swap3A_606 = arith.index_cast %swap3A_605 : i32 to index
    %swap3A_607 = arith.constant 32 : index
    %swap3A_608 = tpu.vector_load %arg8[%swap3A_606, %swap3A_607] {strides = array<i32>} : memref<4x128xi32, #tpu.memory_space<vmem>>, vector<16xi32>,
    tpu.vector_store %arg8[%swap3A_606, %swap3A_607], %sub3A_604 {strides = array<i32>} : memref<4x128xi32, #tpu.memory_space<vmem>>, vector<16xi32>,
    %get3A_609 = arith.constant 3 : i32
    %get3A_610 = arith.index_cast %get3A_609 : i32 to index
    %get3A_611 = arith.constant 48 : index
    %get3A_612 = tpu.vector_load %arg7[%get3A_610, %get3A_611] {strides = array<i32>} : memref<4x128xi32, #tpu.memory_space<vmem>>, vector<16xi32>,
    %sub3A_613 = arith.constant 1 : i32
    %sub3A_614 = vector.broadcast %sub3A_613 : i32 to vector<16xi32>
    %sub3A_615 = arith.subi %get3A_612, %sub3A_614 : vector<16xi32>
    %swap3A_616 = arith.constant 3 : i32
    %swap3A_617 = arith.index_cast %swap3A_616 : i32 to index
    %swap3A_618 = arith.constant 48 : index
    %swap3A_619 = tpu.vector_load %arg7[%swap3A_617, %swap3A_618] {strides = array<i32>} : memref<4x128xi32, #tpu.memory_space<vmem>>, vector<16xi32>,
    tpu.vector_store %arg7[%swap3A_617, %swap3A_618], %sub3A_615 {strides = array<i32>} : memref<4x128xi32, #tpu.memory_space<vmem>>, vector<16xi32>,
    %get3A_620 = arith.constant 3 : i32
    %get3A_621 = arith.index_cast %get3A_620 : i32 to index
    %get3A_622 = arith.constant 48 : index
    %get3A_623 = tpu.vector_load %arg8[%get3A_621, %get3A_622] {strides = array<i32>} : memref<4x128xi32, #tpu.memory_space<vmem>>, vector<16xi32>,
    %sub3A_624 = arith.constant 1 : i32
    %sub3A_625 = vector.broadcast %sub3A_624 : i32 to vector<16xi32>
    %sub3A_626 = arith.subi %get3A_623, %sub3A_625 : vector<16xi32>
    %swap3A_627 = arith.constant 3 : i32
    %swap3A_628 = arith.index_cast %swap3A_627 : i32 to index
    %swap3A_629 = arith.constant 48 : index
    %swap3A_630 = tpu.vector_load %arg8[%swap3A_628, %swap3A_629] {strides = array<i32>} : memref<4x128xi32, #tpu.memory_space<vmem>>, vector<16xi32>,
    tpu.vector_store %arg8[%swap3A_628, %swap3A_629], %sub3A_626 {strides = array<i32>} : memref<4x128xi32, #tpu.memory_space<vmem>>, vector<16xi32>,
    %get3A_631 = arith.constant 3 : i32
    %get3A_632 = arith.index_cast %get3A_631 : i32 to index
    %get3A_633 = arith.constant 64 : index
    %get3A_634 = tpu.vector_load %arg7[%get3A_632, %get3A_633] {strides = array<i32>} : memref<4x128xi32, #tpu.memory_space<vmem>>, vector<16xi32>,
    %sub3A_635 = arith.constant 1 : i32
    %sub3A_636 = vector.broadcast %sub3A_635 : i32 to vector<16xi32>
    %sub3A_637 = arith.subi %get3A_634, %sub3A_636 : vector<16xi32>
    %swap3A_638 = arith.constant 3 : i32
    %swap3A_639 = arith.index_cast %swap3A_638 : i32 to index
    %swap3A_640 = arith.constant 64 : index
    %swap3A_641 = tpu.vector_load %arg7[%swap3A_639, %swap3A_640] {strides = array<i32>} : memref<4x128xi32, #tpu.memory_space<vmem>>, vector<16xi32>,
    tpu.vector_store %arg7[%swap3A_639, %swap3A_640], %sub3A_637 {strides = array<i32>} : memref<4x128xi32, #tpu.memory_space<vmem>>, vector<16xi32>,
    %get3A_642 = arith.constant 3 : i32
    %get3A_643 = arith.index_cast %get3A_642 : i32 to index
    %get3A_644 = arith.constant 64 : index
    %get3A_645 = tpu.vector_load %arg8[%get3A_643, %get3A_644] {strides = array<i32>} : memref<4x128xi32, #tpu.memory_space<vmem>>, vector<16xi32>,
    %sub3A_646 = arith.constant 1 : i32
    %sub3A_647 = vector.broadcast %sub3A_646 : i32 to vector<16xi32>
    %sub3A_648 = arith.subi %get3A_645, %sub3A_647 : vector<16xi32>
    %swap3A_649 = arith.constant 3 : i32
    %swap3A_650 = arith.index_cast %swap3A_649 : i32 to index
    %swap3A_651 = arith.constant 64 : index
    %swap3A_652 = tpu.vector_load %arg8[%swap3A_650, %swap3A_651] {strides = array<i32>} : memref<4x128xi32, #tpu.memory_space<vmem>>, vector<16xi32>,
    tpu.vector_store %arg8[%swap3A_650, %swap3A_651], %sub3A_648 {strides = array<i32>} : memref<4x128xi32, #tpu.memory_space<vmem>>, vector<16xi32>,
    %get3A_653 = arith.constant 3 : i32
    %get3A_654 = arith.index_cast %get3A_653 : i32 to index
    %get3A_655 = arith.constant 80 : index
    %get3A_656 = tpu.vector_load %arg7[%get3A_654, %get3A_655] {strides = array<i32>} : memref<4x128xi32, #tpu.memory_space<vmem>>, vector<16xi32>,
    %sub3A_657 = arith.constant 1 : i32
    %sub3A_658 = vector.broadcast %sub3A_657 : i32 to vector<16xi32>
    %sub3A_659 = arith.subi %get3A_656, %sub3A_658 : vector<16xi32>
    %swap3A_660 = arith.constant 3 : i32
    %swap3A_661 = arith.index_cast %swap3A_660 : i32 to index
    %swap3A_662 = arith.constant 80 : index
    %swap3A_663 = tpu.vector_load %arg7[%swap3A_661, %swap3A_662] {strides = array<i32>} : memref<4x128xi32, #tpu.memory_space<vmem>>, vector<16xi32>,
    tpu.vector_store %arg7[%swap3A_661, %swap3A_662], %sub3A_659 {strides = array<i32>} : memref<4x128xi32, #tpu.memory_space<vmem>>, vector<16xi32>,
    %get3A_664 = arith.constant 3 : i32
    %get3A_665 = arith.index_cast %get3A_664 : i32 to index
    %get3A_666 = arith.constant 80 : index
    %get3A_667 = tpu.vector_load %arg8[%get3A_665, %get3A_666] {strides = array<i32>} : memref<4x128xi32, #tpu.memory_space<vmem>>, vector<16xi32>,
    %sub3A_668 = arith.constant 1 : i32
    %sub3A_669 = vector.broadcast %sub3A_668 : i32 to vector<16xi32>
    %sub3A_670 = arith.subi %get3A_667, %sub3A_669 : vector<16xi32>
    %swap3A_671 = arith.constant 3 : i32
    %swap3A_672 = arith.index_cast %swap3A_671 : i32 to index
    %swap3A_673 = arith.constant 80 : index
    %swap3A_674 = tpu.vector_load %arg8[%swap3A_672, %swap3A_673] {strides = array<i32>} : memref<4x128xi32, #tpu.memory_space<vmem>>, vector<16xi32>,
    tpu.vector_store %arg8[%swap3A_672, %swap3A_673], %sub3A_670 {strides = array<i32>} : memref<4x128xi32, #tpu.memory_space<vmem>>, vector<16xi32>,
    %get3A_675 = arith.constant 3 : i32
    %get3A_676 = arith.index_cast %get3A_675 : i32 to index
    %get3A_677 = arith.constant 96 : index
    %get3A_678 = tpu.vector_load %arg7[%get3A_676, %get3A_677] {strides = array<i32>} : memref<4x128xi32, #tpu.memory_space<vmem>>, vector<16xi32>,
    %sub3A_679 = arith.constant 1 : i32
    %sub3A_680 = vector.broadcast %sub3A_679 : i32 to vector<16xi32>
    %sub3A_681 = arith.subi %get3A_678, %sub3A_680 : vector<16xi32>
    %swap3A_682 = arith.constant 3 : i32
    %swap3A_683 = arith.index_cast %swap3A_682 : i32 to index
    %swap3A_684 = arith.constant 96 : index
    %swap3A_685 = tpu.vector_load %arg7[%swap3A_683, %swap3A_684] {strides = array<i32>} : memref<4x128xi32, #tpu.memory_space<vmem>>, vector<16xi32>,
    tpu.vector_store %arg7[%swap3A_683, %swap3A_684], %sub3A_681 {strides = array<i32>} : memref<4x128xi32, #tpu.memory_space<vmem>>, vector<16xi32>,
    %get3A_686 = arith.constant 3 : i32
    %get3A_687 = arith.index_cast %get3A_686 : i32 to index
    %get3A_688 = arith.constant 96 : index
    %get3A_689 = tpu.vector_load %arg8[%get3A_687, %get3A_688] {strides = array<i32>} : memref<4x128xi32, #tpu.memory_space<vmem>>, vector<16xi32>,
    %sub3A_690 = arith.constant 1 : i32
    %sub3A_691 = vector.broadcast %sub3A_690 : i32 to vector<16xi32>
    %sub3A_692 = arith.subi %get3A_689, %sub3A_691 : vector<16xi32>
    %swap3A_693 = arith.constant 3 : i32
    %swap3A_694 = arith.index_cast %swap3A_693 : i32 to index
    %swap3A_695 = arith.constant 96 : index
    %swap3A_696 = tpu.vector_load %arg8[%swap3A_694, %swap3A_695] {strides = array<i32>} : memref<4x128xi32, #tpu.memory_space<vmem>>, vector<16xi32>,
    tpu.vector_store %arg8[%swap3A_694, %swap3A_695], %sub3A_692 {strides = array<i32>} : memref<4x128xi32, #tpu.memory_space<vmem>>, vector<16xi32>,
    %get3A_697 = arith.constant 3 : i32
    %get3A_698 = arith.index_cast %get3A_697 : i32 to index
    %get3A_699 = arith.constant 112 : index
    %get3A_700 = tpu.vector_load %arg7[%get3A_698, %get3A_699] {strides = array<i32>} : memref<4x128xi32, #tpu.memory_space<vmem>>, vector<16xi32>,
    %sub3A_701 = arith.constant 1 : i32
    %sub3A_702 = vector.broadcast %sub3A_701 : i32 to vector<16xi32>
    %sub3A_703 = arith.subi %get3A_700, %sub3A_702 : vector<16xi32>
    %swap3A_704 = arith.constant 3 : i32
    %swap3A_705 = arith.index_cast %swap3A_704 : i32 to index
    %swap3A_706 = arith.constant 112 : index
    %swap3A_707 = tpu.vector_load %arg7[%swap3A_705, %swap3A_706] {strides = array<i32>} : memref<4x128xi32, #tpu.memory_space<vmem>>, vector<16xi32>,
    tpu.vector_store %arg7[%swap3A_705, %swap3A_706], %sub3A_703 {strides = array<i32>} : memref<4x128xi32, #tpu.memory_space<vmem>>, vector<16xi32>,
    %get3A_708 = arith.constant 3 : i32
    %get3A_709 = arith.index_cast %get3A_708 : i32 to index
    %get3A_710 = arith.constant 112 : index
    %get3A_711 = tpu.vector_load %arg8[%get3A_709, %get3A_710] {strides = array<i32>} : memref<4x128xi32, #tpu.memory_space<vmem>>, vector<16xi32>,
    %sub3A_712 = arith.constant 1 : i32
    %sub3A_713 = vector.broadcast %sub3A_712 : i32 to vector<16xi32>
    %sub3A_714 = arith.subi %get3A_711, %sub3A_713 : vector<16xi32>
    %swap3A_715 = arith.constant 3 : i32
    %swap3A_716 = arith.index_cast %swap3A_715 : i32 to index
    %swap3A_717 = arith.constant 112 : index
    %swap3A_718 = tpu.vector_load %arg8[%swap3A_716, %swap3A_717] {strides = array<i32>} : memref<4x128xi32, #tpu.memory_space<vmem>>, vector<16xi32>,
    tpu.vector_store %arg8[%swap3A_716, %swap3A_717], %sub3A_714 {strides = array<i32>} : memref<4x128xi32, #tpu.memory_space<vmem>>, vector<16xi32>,
    %dma_start3A = arith.constant 0 : i32
    %dma_start3A_719 = arith.constant 0 : i32
    %dma_start3A_720 = arith.constant 0 : i32
    %dma_start3A_721 = tpu.memref_slice %arg9[%dma_start3A_719, %dma_start3A_720] : memref<512x32xf32, #tpu.memory_space<vmem>> -> memref<128x32xf32, #tpu.memory_space<vmem>>
    %dma_start3A_722 = arith.constant 0 : i32
    %dma_start3A_723 = tpu.memref_slice %arg7[%dma_start3A, %dma_start3A_722] : memref<4x128xi32, #tpu.memory_space<vmem>> -> memref<1x128xi32, #tpu.memory_space<vmem>>
    %dma_start3A_724 = tpu.memref_squeeze %dma_start3A_723 : memref<1x128xi32, #tpu.memory_space<vmem>> -> memref<128xi32, #tpu.memory_space<vmem>>
    %dma_start3A_725 = arith.constant 0 : i32
    %dma_start3A_726 = arith.constant 0 : i32
    %dma_start3A_727 = tpu.memref_slice %arg4[%dma_start3A_725, %dma_start3A_726] : memref<1000000x32xf32, #tpu.memory_space<hbm>> -> memref<1000000x32xf32, #tpu.memory_space<hbm>>
    tpu.enqueue_indirect_dma source(%dma_start3A_727 : memref<1000000x32xf32, #tpu.memory_space<hbm>>) target(%dma_start3A_721 : memref<128x32xf32, #tpu.memory_space<vmem>>) offsets(%dma_start3A_724 : memref<128xi32, #tpu.memory_space<vmem>>) semaphore(%arg12 : memref<!tpu.dma_semaphore, #tpu.memory_space<semaphore_mem>>)
    %dma_start3A_728 = arith.constant 0 : i32
    %dma_start3A_729 = arith.constant 0 : i32
    %dma_start3A_730 = arith.constant 0 : i32
    %dma_start3A_731 = tpu.memref_slice %arg10[%dma_start3A_729, %dma_start3A_730] : memref<512x32xf32, #tpu.memory_space<vmem>> -> memref<128x32xf32, #tpu.memory_space<vmem>>
    %dma_start3A_732 = arith.constant 0 : i32
    %dma_start3A_733 = tpu.memref_slice %arg8[%dma_start3A_728, %dma_start3A_732] : memref<4x128xi32, #tpu.memory_space<vmem>> -> memref<1x128xi32, #tpu.memory_space<vmem>>
    %dma_start3A_734 = tpu.memref_squeeze %dma_start3A_733 : memref<1x128xi32, #tpu.memory_space<vmem>> -> memref<128xi32, #tpu.memory_space<vmem>>
    %dma_start3A_735 = arith.constant 0 : i32
    %dma_start3A_736 = arith.constant 0 : i32
    %dma_start3A_737 = tpu.memref_slice %arg5[%dma_start3A_735, %dma_start3A_736] : memref<1000000x32xf32, #tpu.memory_space<hbm>> -> memref<1000000x32xf32, #tpu.memory_space<hbm>>
    tpu.enqueue_indirect_dma source(%dma_start3A_737 : memref<1000000x32xf32, #tpu.memory_space<hbm>>) target(%dma_start3A_731 : memref<128x32xf32, #tpu.memory_space<vmem>>) offsets(%dma_start3A_734 : memref<128xi32, #tpu.memory_space<vmem>>) semaphore(%arg12 : memref<!tpu.dma_semaphore, #tpu.memory_space<semaphore_mem>>)
    %dma_start3A_738 = arith.constant 1 : i32
    %dma_start3A_739 = arith.constant 128 : i32
    %dma_start3A_740 = arith.constant 0 : i32
    %dma_start3A_741 = tpu.memref_slice %arg9[%dma_start3A_739, %dma_start3A_740] : memref<512x32xf32, #tpu.memory_space<vmem>> -> memref<128x32xf32, #tpu.memory_space<vmem>>
    %dma_start3A_742 = arith.constant 0 : i32
    %dma_start3A_743 = tpu.memref_slice %arg7[%dma_start3A_738, %dma_start3A_742] : memref<4x128xi32, #tpu.memory_space<vmem>> -> memref<1x128xi32, #tpu.memory_space<vmem>>
    %dma_start3A_744 = tpu.memref_squeeze %dma_start3A_743 : memref<1x128xi32, #tpu.memory_space<vmem>> -> memref<128xi32, #tpu.memory_space<vmem>>
    %dma_start3A_745 = arith.constant 0 : i32
    %dma_start3A_746 = arith.constant 0 : i32
    %dma_start3A_747 = tpu.memref_slice %arg4[%dma_start3A_745, %dma_start3A_746] : memref<1000000x32xf32, #tpu.memory_space<hbm>> -> memref<1000000x32xf32, #tpu.memory_space<hbm>>
    tpu.enqueue_indirect_dma source(%dma_start3A_747 : memref<1000000x32xf32, #tpu.memory_space<hbm>>) target(%dma_start3A_741 : memref<128x32xf32, #tpu.memory_space<vmem>>) offsets(%dma_start3A_744 : memref<128xi32, #tpu.memory_space<vmem>>) semaphore(%arg12 : memref<!tpu.dma_semaphore, #tpu.memory_space<semaphore_mem>>)
    %dma_start3A_748 = arith.constant 1 : i32
    %dma_start3A_749 = arith.constant 128 : i32
    %dma_start3A_750 = arith.constant 0 : i32
    %dma_start3A_751 = tpu.memref_slice %arg10[%dma_start3A_749, %dma_start3A_750] : memref<512x32xf32, #tpu.memory_space<vmem>> -> memref<128x32xf32, #tpu.memory_space<vmem>>
    %dma_start3A_752 = arith.constant 0 : i32
    %dma_start3A_753 = tpu.memref_slice %arg8[%dma_start3A_748, %dma_start3A_752] : memref<4x128xi32, #tpu.memory_space<vmem>> -> memref<1x128xi32, #tpu.memory_space<vmem>>
    %dma_start3A_754 = tpu.memref_squeeze %dma_start3A_753 : memref<1x128xi32, #tpu.memory_space<vmem>> -> memref<128xi32, #tpu.memory_space<vmem>>
    %dma_start3A_755 = arith.constant 0 : i32
    %dma_start3A_756 = arith.constant 0 : i32
    %dma_start3A_757 = tpu.memref_slice %arg5[%dma_start3A_755, %dma_start3A_756] : memref<1000000x32xf32, #tpu.memory_space<hbm>> -> memref<1000000x32xf32, #tpu.memory_space<hbm>>
    tpu.enqueue_indirect_dma source(%dma_start3A_757 : memref<1000000x32xf32, #tpu.memory_space<hbm>>) target(%dma_start3A_751 : memref<128x32xf32, #tpu.memory_space<vmem>>) offsets(%dma_start3A_754 : memref<128xi32, #tpu.memory_space<vmem>>) semaphore(%arg12 : memref<!tpu.dma_semaphore, #tpu.memory_space<semaphore_mem>>)
    %dma_start3A_758 = arith.constant 2 : i32
    %dma_start3A_759 = arith.constant 256 : i32
    %dma_start3A_760 = arith.constant 0 : i32
    %dma_start3A_761 = tpu.memref_slice %arg9[%dma_start3A_759, %dma_start3A_760] : memref<512x32xf32, #tpu.memory_space<vmem>> -> memref<128x32xf32, #tpu.memory_space<vmem>>
    %dma_start3A_762 = arith.constant 0 : i32
    %dma_start3A_763 = tpu.memref_slice %arg7[%dma_start3A_758, %dma_start3A_762] : memref<4x128xi32, #tpu.memory_space<vmem>> -> memref<1x128xi32, #tpu.memory_space<vmem>>
    %dma_start3A_764 = tpu.memref_squeeze %dma_start3A_763 : memref<1x128xi32, #tpu.memory_space<vmem>> -> memref<128xi32, #tpu.memory_space<vmem>>
    %dma_start3A_765 = arith.constant 0 : i32
    %dma_start3A_766 = arith.constant 0 : i32
    %dma_start3A_767 = tpu.memref_slice %arg4[%dma_start3A_765, %dma_start3A_766] : memref<1000000x32xf32, #tpu.memory_space<hbm>> -> memref<1000000x32xf32, #tpu.memory_space<hbm>>
    tpu.enqueue_indirect_dma source(%dma_start3A_767 : memref<1000000x32xf32, #tpu.memory_space<hbm>>) target(%dma_start3A_761 : memref<128x32xf32, #tpu.memory_space<vmem>>) offsets(%dma_start3A_764 : memref<128xi32, #tpu.memory_space<vmem>>) semaphore(%arg12 : memref<!tpu.dma_semaphore, #tpu.memory_space<semaphore_mem>>)
    %dma_start3A_768 = arith.constant 2 : i32
    %dma_start3A_769 = arith.constant 256 : i32
    %dma_start3A_770 = arith.constant 0 : i32
    %dma_start3A_771 = tpu.memref_slice %arg10[%dma_start3A_769, %dma_start3A_770] : memref<512x32xf32, #tpu.memory_space<vmem>> -> memref<128x32xf32, #tpu.memory_space<vmem>>
    %dma_start3A_772 = arith.constant 0 : i32
    %dma_start3A_773 = tpu.memref_slice %arg8[%dma_start3A_768, %dma_start3A_772] : memref<4x128xi32, #tpu.memory_space<vmem>> -> memref<1x128xi32, #tpu.memory_space<vmem>>
    %dma_start3A_774 = tpu.memref_squeeze %dma_start3A_773 : memref<1x128xi32, #tpu.memory_space<vmem>> -> memref<128xi32, #tpu.memory_space<vmem>>
    %dma_start3A_775 = arith.constant 0 : i32
    %dma_start3A_776 = arith.constant 0 : i32
    %dma_start3A_777 = tpu.memref_slice %arg5[%dma_start3A_775, %dma_start3A_776] : memref<1000000x32xf32, #tpu.memory_space<hbm>> -> memref<1000000x32xf32, #tpu.memory_space<hbm>>
    tpu.enqueue_indirect_dma source(%dma_start3A_777 : memref<1000000x32xf32, #tpu.memory_space<hbm>>) target(%dma_start3A_771 : memref<128x32xf32, #tpu.memory_space<vmem>>) offsets(%dma_start3A_774 : memref<128xi32, #tpu.memory_space<vmem>>) semaphore(%arg12 : memref<!tpu.dma_semaphore, #tpu.memory_space<semaphore_mem>>)
    %dma_start3A_778 = arith.constant 3 : i32
    %dma_start3A_779 = arith.constant 384 : i32
    %dma_start3A_780 = arith.constant 0 : i32
    %dma_start3A_781 = tpu.memref_slice %arg9[%dma_start3A_779, %dma_start3A_780] : memref<512x32xf32, #tpu.memory_space<vmem>> -> memref<128x32xf32, #tpu.memory_space<vmem>>
    %dma_start3A_782 = arith.constant 0 : i32
    %dma_start3A_783 = tpu.memref_slice %arg7[%dma_start3A_778, %dma_start3A_782] : memref<4x128xi32, #tpu.memory_space<vmem>> -> memref<1x128xi32, #tpu.memory_space<vmem>>
    %dma_start3A_784 = tpu.memref_squeeze %dma_start3A_783 : memref<1x128xi32, #tpu.memory_space<vmem>> -> memref<128xi32, #tpu.memory_space<vmem>>
    %dma_start3A_785 = arith.constant 0 : i32
    %dma_start3A_786 = arith.constant 0 : i32
    %dma_start3A_787 = tpu.memref_slice %arg4[%dma_start3A_785, %dma_start3A_786] : memref<1000000x32xf32, #tpu.memory_space<hbm>> -> memref<1000000x32xf32, #tpu.memory_space<hbm>>
    tpu.enqueue_indirect_dma source(%dma_start3A_787 : memref<1000000x32xf32, #tpu.memory_space<hbm>>) target(%dma_start3A_781 : memref<128x32xf32, #tpu.memory_space<vmem>>) offsets(%dma_start3A_784 : memref<128xi32, #tpu.memory_space<vmem>>) semaphore(%arg12 : memref<!tpu.dma_semaphore, #tpu.memory_space<semaphore_mem>>)
    %dma_start3A_788 = arith.constant 3 : i32
    %dma_start3A_789 = arith.constant 384 : i32
    %dma_start3A_790 = arith.constant 0 : i32
    %dma_start3A_791 = tpu.memref_slice %arg10[%dma_start3A_789, %dma_start3A_790] : memref<512x32xf32, #tpu.memory_space<vmem>> -> memref<128x32xf32, #tpu.memory_space<vmem>>
    %dma_start3A_792 = arith.constant 0 : i32
    %dma_start3A_793 = tpu.memref_slice %arg8[%dma_start3A_788, %dma_start3A_792] : memref<4x128xi32, #tpu.memory_space<vmem>> -> memref<1x128xi32, #tpu.memory_space<vmem>>
    %dma_start3A_794 = tpu.memref_squeeze %dma_start3A_793 : memref<1x128xi32, #tpu.memory_space<vmem>> -> memref<128xi32, #tpu.memory_space<vmem>>
    %dma_start3A_795 = arith.constant 0 : i32
    %dma_start3A_796 = arith.constant 0 : i32
    %dma_start3A_797 = tpu.memref_slice %arg5[%dma_start3A_795, %dma_start3A_796] : memref<1000000x32xf32, #tpu.memory_space<hbm>> -> memref<1000000x32xf32, #tpu.memory_space<hbm>>
    tpu.enqueue_indirect_dma source(%dma_start3A_797 : memref<1000000x32xf32, #tpu.memory_space<hbm>>) target(%dma_start3A_791 : memref<128x32xf32, #tpu.memory_space<vmem>>) offsets(%dma_start3A_794 : memref<128xi32, #tpu.memory_space<vmem>>) semaphore(%arg12 : memref<!tpu.dma_semaphore, #tpu.memory_space<semaphore_mem>>)
    %dma_wait3A = arith.constant 0 : i32
    %dma_wait3A_798 = arith.constant 0 : i32
    %dma_wait3A_799 = arith.constant 0 : i32
    %dma_wait3A_800 = tpu.memref_slice %arg9[%dma_wait3A_798, %dma_wait3A_799] : memref<512x32xf32, #tpu.memory_space<vmem>> -> memref<128x32xf32, #tpu.memory_space<vmem>>
    %dma_wait3A_801 = arith.constant 0 : i32
    %dma_wait3A_802 = tpu.memref_slice %arg7[%dma_wait3A, %dma_wait3A_801] : memref<4x128xi32, #tpu.memory_space<vmem>> -> memref<1x128xi32, #tpu.memory_space<vmem>>
    %dma_wait3A_803 = tpu.memref_squeeze %dma_wait3A_802 : memref<1x128xi32, #tpu.memory_space<vmem>> -> memref<128xi32, #tpu.memory_space<vmem>>
    %dma_wait3A_804 = arith.constant 0 : i32
    %dma_wait3A_805 = arith.constant 0 : i32
    %dma_wait3A_806 = tpu.memref_slice %arg4[%dma_wait3A_804, %dma_wait3A_805] : memref<1000000x32xf32, #tpu.memory_space<hbm>> -> memref<1000000x32xf32, #tpu.memory_space<hbm>>
    tpu.wait_indirect_dma semaphore(%arg12 : memref<!tpu.dma_semaphore, #tpu.memory_space<semaphore_mem>>) src(%dma_wait3A_806 : memref<1000000x32xf32, #tpu.memory_space<hbm>>) dst(%dma_wait3A_800 : memref<128x32xf32, #tpu.memory_space<vmem>>)
    %dma_wait3A_807 = arith.constant 0 : i32
    %dma_wait3A_808 = arith.constant 0 : i32
    %dma_wait3A_809 = arith.constant 0 : i32
    %dma_wait3A_810 = tpu.memref_slice %arg10[%dma_wait3A_808, %dma_wait3A_809] : memref<512x32xf32, #tpu.memory_space<vmem>> -> memref<128x32xf32, #tpu.memory_space<vmem>>
    %dma_wait3A_811 = arith.constant 0 : i32
    %dma_wait3A_812 = tpu.memref_slice %arg8[%dma_wait3A_807, %dma_wait3A_811] : memref<4x128xi32, #tpu.memory_space<vmem>> -> memref<1x128xi32, #tpu.memory_space<vmem>>
    %dma_wait3A_813 = tpu.memref_squeeze %dma_wait3A_812 : memref<1x128xi32, #tpu.memory_space<vmem>> -> memref<128xi32, #tpu.memory_space<vmem>>
    %dma_wait3A_814 = arith.constant 0 : i32
    %dma_wait3A_815 = arith.constant 0 : i32
    %dma_wait3A_816 = tpu.memref_slice %arg5[%dma_wait3A_814, %dma_wait3A_815] : memref<1000000x32xf32, #tpu.memory_space<hbm>> -> memref<1000000x32xf32, #tpu.memory_space<hbm>>
    tpu.wait_indirect_dma semaphore(%arg12 : memref<!tpu.dma_semaphore, #tpu.memory_space<semaphore_mem>>) src(%dma_wait3A_816 : memref<1000000x32xf32, #tpu.memory_space<hbm>>) dst(%dma_wait3A_810 : memref<128x32xf32, #tpu.memory_space<vmem>>)
    %dma_wait3A_817 = arith.constant 1 : i32
    %dma_wait3A_818 = arith.constant 128 : i32
    %dma_wait3A_819 = arith.constant 0 : i32
    %dma_wait3A_820 = tpu.memref_slice %arg9[%dma_wait3A_818, %dma_wait3A_819] : memref<512x32xf32, #tpu.memory_space<vmem>> -> memref<128x32xf32, #tpu.memory_space<vmem>>
    %dma_wait3A_821 = arith.constant 0 : i32
    %dma_wait3A_822 = tpu.memref_slice %arg7[%dma_wait3A_817, %dma_wait3A_821] : memref<4x128xi32, #tpu.memory_space<vmem>> -> memref<1x128xi32, #tpu.memory_space<vmem>>
    %dma_wait3A_823 = tpu.memref_squeeze %dma_wait3A_822 : memref<1x128xi32, #tpu.memory_space<vmem>> -> memref<128xi32, #tpu.memory_space<vmem>>
    %dma_wait3A_824 = arith.constant 0 : i32
    %dma_wait3A_825 = arith.constant 0 : i32
    %dma_wait3A_826 = tpu.memref_slice %arg4[%dma_wait3A_824, %dma_wait3A_825] : memref<1000000x32xf32, #tpu.memory_space<hbm>> -> memref<1000000x32xf32, #tpu.memory_space<hbm>>
    tpu.wait_indirect_dma semaphore(%arg12 : memref<!tpu.dma_semaphore, #tpu.memory_space<semaphore_mem>>) src(%dma_wait3A_826 : memref<1000000x32xf32, #tpu.memory_space<hbm>>) dst(%dma_wait3A_820 : memref<128x32xf32, #tpu.memory_space<vmem>>)
    %dma_wait3A_827 = arith.constant 1 : i32
    %dma_wait3A_828 = arith.constant 128 : i32
    %dma_wait3A_829 = arith.constant 0 : i32
    %dma_wait3A_830 = tpu.memref_slice %arg10[%dma_wait3A_828, %dma_wait3A_829] : memref<512x32xf32, #tpu.memory_space<vmem>> -> memref<128x32xf32, #tpu.memory_space<vmem>>
    %dma_wait3A_831 = arith.constant 0 : i32
    %dma_wait3A_832 = tpu.memref_slice %arg8[%dma_wait3A_827, %dma_wait3A_831] : memref<4x128xi32, #tpu.memory_space<vmem>> -> memref<1x128xi32, #tpu.memory_space<vmem>>
    %dma_wait3A_833 = tpu.memref_squeeze %dma_wait3A_832 : memref<1x128xi32, #tpu.memory_space<vmem>> -> memref<128xi32, #tpu.memory_space<vmem>>
    %dma_wait3A_834 = arith.constant 0 : i32
    %dma_wait3A_835 = arith.constant 0 : i32
    %dma_wait3A_836 = tpu.memref_slice %arg5[%dma_wait3A_834, %dma_wait3A_835] : memref<1000000x32xf32, #tpu.memory_space<hbm>> -> memref<1000000x32xf32, #tpu.memory_space<hbm>>
    tpu.wait_indirect_dma semaphore(%arg12 : memref<!tpu.dma_semaphore, #tpu.memory_space<semaphore_mem>>) src(%dma_wait3A_836 : memref<1000000x32xf32, #tpu.memory_space<hbm>>) dst(%dma_wait3A_830 : memref<128x32xf32, #tpu.memory_space<vmem>>)
    %dma_wait3A_837 = arith.constant 2 : i32
    %dma_wait3A_838 = arith.constant 256 : i32
    %dma_wait3A_839 = arith.constant 0 : i32
    %dma_wait3A_840 = tpu.memref_slice %arg9[%dma_wait3A_838, %dma_wait3A_839] : memref<512x32xf32, #tpu.memory_space<vmem>> -> memref<128x32xf32, #tpu.memory_space<vmem>>
    %dma_wait3A_841 = arith.constant 0 : i32
    %dma_wait3A_842 = tpu.memref_slice %arg7[%dma_wait3A_837, %dma_wait3A_841] : memref<4x128xi32, #tpu.memory_space<vmem>> -> memref<1x128xi32, #tpu.memory_space<vmem>>
    %dma_wait3A_843 = tpu.memref_squeeze %dma_wait3A_842 : memref<1x128xi32, #tpu.memory_space<vmem>> -> memref<128xi32, #tpu.memory_space<vmem>>
    %dma_wait3A_844 = arith.constant 0 : i32
    %dma_wait3A_845 = arith.constant 0 : i32
    %dma_wait3A_846 = tpu.memref_slice %arg4[%dma_wait3A_844, %dma_wait3A_845] : memref<1000000x32xf32, #tpu.memory_space<hbm>> -> memref<1000000x32xf32, #tpu.memory_space<hbm>>
    tpu.wait_indirect_dma semaphore(%arg12 : memref<!tpu.dma_semaphore, #tpu.memory_space<semaphore_mem>>) src(%dma_wait3A_846 : memref<1000000x32xf32, #tpu.memory_space<hbm>>) dst(%dma_wait3A_840 : memref<128x32xf32, #tpu.memory_space<vmem>>)
    %dma_wait3A_847 = arith.constant 2 : i32
    %dma_wait3A_848 = arith.constant 256 : i32
    %dma_wait3A_849 = arith.constant 0 : i32
    %dma_wait3A_850 = tpu.memref_slice %arg10[%dma_wait3A_848, %dma_wait3A_849] : memref<512x32xf32, #tpu.memory_space<vmem>> -> memref<128x32xf32, #tpu.memory_space<vmem>>
    %dma_wait3A_851 = arith.constant 0 : i32
    %dma_wait3A_852 = tpu.memref_slice %arg8[%dma_wait3A_847, %dma_wait3A_851] : memref<4x128xi32, #tpu.memory_space<vmem>> -> memref<1x128xi32, #tpu.memory_space<vmem>>
    %dma_wait3A_853 = tpu.memref_squeeze %dma_wait3A_852 : memref<1x128xi32, #tpu.memory_space<vmem>> -> memref<128xi32, #tpu.memory_space<vmem>>
    %dma_wait3A_854 = arith.constant 0 : i32
    %dma_wait3A_855 = arith.constant 0 : i32
    %dma_wait3A_856 = tpu.memref_slice %arg5[%dma_wait3A_854, %dma_wait3A_855] : memref<1000000x32xf32, #tpu.memory_space<hbm>> -> memref<1000000x32xf32, #tpu.memory_space<hbm>>
    tpu.wait_indirect_dma semaphore(%arg12 : memref<!tpu.dma_semaphore, #tpu.memory_space<semaphore_mem>>) src(%dma_wait3A_856 : memref<1000000x32xf32, #tpu.memory_space<hbm>>) dst(%dma_wait3A_850 : memref<128x32xf32, #tpu.memory_space<vmem>>)
    %dma_wait3A_857 = arith.constant 3 : i32
    %dma_wait3A_858 = arith.constant 384 : i32
    %dma_wait3A_859 = arith.constant 0 : i32
    %dma_wait3A_860 = tpu.memref_slice %arg9[%dma_wait3A_858, %dma_wait3A_859] : memref<512x32xf32, #tpu.memory_space<vmem>> -> memref<128x32xf32, #tpu.memory_space<vmem>>
    %dma_wait3A_861 = arith.constant 0 : i32
    %dma_wait3A_862 = tpu.memref_slice %arg7[%dma_wait3A_857, %dma_wait3A_861] : memref<4x128xi32, #tpu.memory_space<vmem>> -> memref<1x128xi32, #tpu.memory_space<vmem>>
    %dma_wait3A_863 = tpu.memref_squeeze %dma_wait3A_862 : memref<1x128xi32, #tpu.memory_space<vmem>> -> memref<128xi32, #tpu.memory_space<vmem>>
    %dma_wait3A_864 = arith.constant 0 : i32
    %dma_wait3A_865 = arith.constant 0 : i32
    %dma_wait3A_866 = tpu.memref_slice %arg4[%dma_wait3A_864, %dma_wait3A_865] : memref<1000000x32xf32, #tpu.memory_space<hbm>> -> memref<1000000x32xf32, #tpu.memory_space<hbm>>
    tpu.wait_indirect_dma semaphore(%arg12 : memref<!tpu.dma_semaphore, #tpu.memory_space<semaphore_mem>>) src(%dma_wait3A_866 : memref<1000000x32xf32, #tpu.memory_space<hbm>>) dst(%dma_wait3A_860 : memref<128x32xf32, #tpu.memory_space<vmem>>)
    %dma_wait3A_867 = arith.constant 3 : i32
    %dma_wait3A_868 = arith.constant 384 : i32
    %dma_wait3A_869 = arith.constant 0 : i32
    %dma_wait3A_870 = tpu.memref_slice %arg10[%dma_wait3A_868, %dma_wait3A_869] : memref<512x32xf32, #tpu.memory_space<vmem>> -> memref<128x32xf32, #tpu.memory_space<vmem>>
    %dma_wait3A_871 = arith.constant 0 : i32
    %dma_wait3A_872 = tpu.memref_slice %arg8[%dma_wait3A_867, %dma_wait3A_871] : memref<4x128xi32, #tpu.memory_space<vmem>> -> memref<1x128xi32, #tpu.memory_space<vmem>>
    %dma_wait3A_873 = tpu.memref_squeeze %dma_wait3A_872 : memref<1x128xi32, #tpu.memory_space<vmem>> -> memref<128xi32, #tpu.memory_space<vmem>>
    %dma_wait3A_874 = arith.constant 0 : i32
    %dma_wait3A_875 = arith.constant 0 : i32
    %dma_wait3A_876 = tpu.memref_slice %arg5[%dma_wait3A_874, %dma_wait3A_875] : memref<1000000x32xf32, #tpu.memory_space<hbm>> -> memref<1000000x32xf32, #tpu.memory_space<hbm>>
    tpu.wait_indirect_dma semaphore(%arg12 : memref<!tpu.dma_semaphore, #tpu.memory_space<semaphore_mem>>) src(%dma_wait3A_876 : memref<1000000x32xf32, #tpu.memory_space<hbm>>) dst(%dma_wait3A_870 : memref<128x32xf32, #tpu.memory_space<vmem>>)
    %iota3A = tpu.iota {dimensions = array<i32: 0>} : vector<16xi32>
    %scan3A = arith.constant 0 : i32
    %scan3A_877 = arith.constant 0 : i32
    %scan3A_878 = arith.constant 32 : i32
    %scan3A_879 = arith.addi %scan3A_877, %scan3A_878 : i32
    %scan3A_880 = arith.constant 1 : i32
    scf.for %scan3A_882 = %scan3A_877 to %scan3A_879 step %scan3A_880  : i32 {
      %mul3A_883 = arith.constant 16 : i32
      %mul3A_884 = arith.muli %scan3A_882, %mul3A_883 : i32
      %add3A_885 = vector.broadcast %mul3A_884 : i32 to vector<16xi32>
      %add3A_886 = arith.addi %add3A_885, %iota3A : vector<16xi32>
      %broadcast_in_dim3A = arith.constant 0.000000e+00 : f32
      %broadcast_in_dim3A_887 = vector.broadcast %broadcast_in_dim3A : f32 to vector<16xf32>
      %broadcast_in_dim3A_888 = arith.constant 0 : i32
      %broadcast_in_dim3A_889 = vector.broadcast %broadcast_in_dim3A_888 : i32 to vector<16xi32>
      %gather3A = tpu.vector_load_idx %arg9[%add3A_886, %broadcast_in_dim3A_889] : memref<512x32xf32, #tpu.memory_space<vmem>>[vector<16xi32>, vector<16xi32>], vector<16xf32>,
      %gather3A_890 = tpu.vector_load_idx %arg10[%add3A_886, %broadcast_in_dim3A_889] : memref<512x32xf32, #tpu.memory_space<vmem>>[vector<16xi32>, vector<16xi32>], vector<16xf32>,
      %mul3A_891 = arith.mulf %gather3A, %gather3A_890 : vector<16xf32>
      %add3A_892 = arith.addf %broadcast_in_dim3A_887, %mul3A_891 : vector<16xf32>
      %broadcast_in_dim3A_893 = arith.constant 1 : i32
      %broadcast_in_dim3A_894 = vector.broadcast %broadcast_in_dim3A_893 : i32 to vector<16xi32>
      %gather3A_895 = tpu.vector_load_idx %arg9[%add3A_886, %broadcast_in_dim3A_894] : memref<512x32xf32, #tpu.memory_space<vmem>>[vector<16xi32>, vector<16xi32>], vector<16xf32>,
      %gather3A_896 = tpu.vector_load_idx %arg10[%add3A_886, %broadcast_in_dim3A_894] : memref<512x32xf32, #tpu.memory_space<vmem>>[vector<16xi32>, vector<16xi32>], vector<16xf32>,
      %mul3A_897 = arith.mulf %gather3A_895, %gather3A_896 : vector<16xf32>
      %add3A_898 = arith.addf %add3A_892, %mul3A_897 : vector<16xf32>
      %broadcast_in_dim3A_899 = arith.constant 2 : i32
      %broadcast_in_dim3A_900 = vector.broadcast %broadcast_in_dim3A_899 : i32 to vector<16xi32>
      %gather3A_901 = tpu.vector_load_idx %arg9[%add3A_886, %broadcast_in_dim3A_900] : memref<512x32xf32, #tpu.memory_space<vmem>>[vector<16xi32>, vector<16xi32>], vector<16xf32>,
      %gather3A_902 = tpu.vector_load_idx %arg10[%add3A_886, %broadcast_in_dim3A_900] : memref<512x32xf32, #tpu.memory_space<vmem>>[vector<16xi32>, vector<16xi32>], vector<16xf32>,
      %mul3A_903 = arith.mulf %gather3A_901, %gather3A_902 : vector<16xf32>
      %add3A_904 = arith.addf %add3A_898, %mul3A_903 : vector<16xf32>
      %broadcast_in_dim3A_905 = arith.constant 3 : i32
      %broadcast_in_dim3A_906 = vector.broadcast %broadcast_in_dim3A_905 : i32 to vector<16xi32>
      %gather3A_907 = tpu.vector_load_idx %arg9[%add3A_886, %broadcast_in_dim3A_906] : memref<512x32xf32, #tpu.memory_space<vmem>>[vector<16xi32>, vector<16xi32>], vector<16xf32>,
      %gather3A_908 = tpu.vector_load_idx %arg10[%add3A_886, %broadcast_in_dim3A_906] : memref<512x32xf32, #tpu.memory_space<vmem>>[vector<16xi32>, vector<16xi32>], vector<16xf32>,
      %mul3A_909 = arith.mulf %gather3A_907, %gather3A_908 : vector<16xf32>
      %add3A_910 = arith.addf %add3A_904, %mul3A_909 : vector<16xf32>
      %broadcast_in_dim3A_911 = arith.constant 4 : i32
      %broadcast_in_dim3A_912 = vector.broadcast %broadcast_in_dim3A_911 : i32 to vector<16xi32>
      %gather3A_913 = tpu.vector_load_idx %arg9[%add3A_886, %broadcast_in_dim3A_912] : memref<512x32xf32, #tpu.memory_space<vmem>>[vector<16xi32>, vector<16xi32>], vector<16xf32>,
      %gather3A_914 = tpu.vector_load_idx %arg10[%add3A_886, %broadcast_in_dim3A_912] : memref<512x32xf32, #tpu.memory_space<vmem>>[vector<16xi32>, vector<16xi32>], vector<16xf32>,
      %mul3A_915 = arith.mulf %gather3A_913, %gather3A_914 : vector<16xf32>
      %add3A_916 = arith.addf %add3A_910, %mul3A_915 : vector<16xf32>
      %broadcast_in_dim3A_917 = arith.constant 5 : i32
      %broadcast_in_dim3A_918 = vector.broadcast %broadcast_in_dim3A_917 : i32 to vector<16xi32>
      %gather3A_919 = tpu.vector_load_idx %arg9[%add3A_886, %broadcast_in_dim3A_918] : memref<512x32xf32, #tpu.memory_space<vmem>>[vector<16xi32>, vector<16xi32>], vector<16xf32>,
      %gather3A_920 = tpu.vector_load_idx %arg10[%add3A_886, %broadcast_in_dim3A_918] : memref<512x32xf32, #tpu.memory_space<vmem>>[vector<16xi32>, vector<16xi32>], vector<16xf32>,
      %mul3A_921 = arith.mulf %gather3A_919, %gather3A_920 : vector<16xf32>
      %add3A_922 = arith.addf %add3A_916, %mul3A_921 : vector<16xf32>
      %broadcast_in_dim3A_923 = arith.constant 6 : i32
      %broadcast_in_dim3A_924 = vector.broadcast %broadcast_in_dim3A_923 : i32 to vector<16xi32>
      %gather3A_925 = tpu.vector_load_idx %arg9[%add3A_886, %broadcast_in_dim3A_924] : memref<512x32xf32, #tpu.memory_space<vmem>>[vector<16xi32>, vector<16xi32>], vector<16xf32>,
      %gather3A_926 = tpu.vector_load_idx %arg10[%add3A_886, %broadcast_in_dim3A_924] : memref<512x32xf32, #tpu.memory_space<vmem>>[vector<16xi32>, vector<16xi32>], vector<16xf32>,
      %mul3A_927 = arith.mulf %gather3A_925, %gather3A_926 : vector<16xf32>
      %add3A_928 = arith.addf %add3A_922, %mul3A_927 : vector<16xf32>
      %broadcast_in_dim3A_929 = arith.constant 7 : i32
      %broadcast_in_dim3A_930 = vector.broadcast %broadcast_in_dim3A_929 : i32 to vector<16xi32>
      %gather3A_931 = tpu.vector_load_idx %arg9[%add3A_886, %broadcast_in_dim3A_930] : memref<512x32xf32, #tpu.memory_space<vmem>>[vector<16xi32>, vector<16xi32>], vector<16xf32>,
      %gather3A_932 = tpu.vector_load_idx %arg10[%add3A_886, %broadcast_in_dim3A_930] : memref<512x32xf32, #tpu.memory_space<vmem>>[vector<16xi32>, vector<16xi32>], vector<16xf32>,
      %mul3A_933 = arith.mulf %gather3A_931, %gather3A_932 : vector<16xf32>
      %add3A_934 = arith.addf %add3A_928, %mul3A_933 : vector<16xf32>
      %broadcast_in_dim3A_935 = arith.constant 8 : i32
      %broadcast_in_dim3A_936 = vector.broadcast %broadcast_in_dim3A_935 : i32 to vector<16xi32>
      %gather3A_937 = tpu.vector_load_idx %arg9[%add3A_886, %broadcast_in_dim3A_936] : memref<512x32xf32, #tpu.memory_space<vmem>>[vector<16xi32>, vector<16xi32>], vector<16xf32>,
      %gather3A_938 = tpu.vector_load_idx %arg10[%add3A_886, %broadcast_in_dim3A_936] : memref<512x32xf32, #tpu.memory_space<vmem>>[vector<16xi32>, vector<16xi32>], vector<16xf32>,
      %mul3A_939 = arith.mulf %gather3A_937, %gather3A_938 : vector<16xf32>
      %add3A_940 = arith.addf %add3A_934, %mul3A_939 : vector<16xf32>
      %broadcast_in_dim3A_941 = arith.constant 9 : i32
      %broadcast_in_dim3A_942 = vector.broadcast %broadcast_in_dim3A_941 : i32 to vector<16xi32>
      %gather3A_943 = tpu.vector_load_idx %arg9[%add3A_886, %broadcast_in_dim3A_942] : memref<512x32xf32, #tpu.memory_space<vmem>>[vector<16xi32>, vector<16xi32>], vector<16xf32>,
      %gather3A_944 = tpu.vector_load_idx %arg10[%add3A_886, %broadcast_in_dim3A_942] : memref<512x32xf32, #tpu.memory_space<vmem>>[vector<16xi32>, vector<16xi32>], vector<16xf32>,
      %mul3A_945 = arith.mulf %gather3A_943, %gather3A_944 : vector<16xf32>
      %add3A_946 = arith.addf %add3A_940, %mul3A_945 : vector<16xf32>
      %broadcast_in_dim3A_947 = arith.constant 10 : i32
      %broadcast_in_dim3A_948 = vector.broadcast %broadcast_in_dim3A_947 : i32 to vector<16xi32>
      %gather3A_949 = tpu.vector_load_idx %arg9[%add3A_886, %broadcast_in_dim3A_948] : memref<512x32xf32, #tpu.memory_space<vmem>>[vector<16xi32>, vector<16xi32>], vector<16xf32>,
      %gather3A_950 = tpu.vector_load_idx %arg10[%add3A_886, %broadcast_in_dim3A_948] : memref<512x32xf32, #tpu.memory_space<vmem>>[vector<16xi32>, vector<16xi32>], vector<16xf32>,
      %mul3A_951 = arith.mulf %gather3A_949, %gather3A_950 : vector<16xf32>
      %add3A_952 = arith.addf %add3A_946, %mul3A_951 : vector<16xf32>
      %broadcast_in_dim3A_953 = arith.constant 11 : i32
      %broadcast_in_dim3A_954 = vector.broadcast %broadcast_in_dim3A_953 : i32 to vector<16xi32>
      %gather3A_955 = tpu.vector_load_idx %arg9[%add3A_886, %broadcast_in_dim3A_954] : memref<512x32xf32, #tpu.memory_space<vmem>>[vector<16xi32>, vector<16xi32>], vector<16xf32>,
      %gather3A_956 = tpu.vector_load_idx %arg10[%add3A_886, %broadcast_in_dim3A_954] : memref<512x32xf32, #tpu.memory_space<vmem>>[vector<16xi32>, vector<16xi32>], vector<16xf32>,
      %mul3A_957 = arith.mulf %gather3A_955, %gather3A_956 : vector<16xf32>
      %add3A_958 = arith.addf %add3A_952, %mul3A_957 : vector<16xf32>
      %broadcast_in_dim3A_959 = arith.constant 12 : i32
      %broadcast_in_dim3A_960 = vector.broadcast %broadcast_in_dim3A_959 : i32 to vector<16xi32>
      %gather3A_961 = tpu.vector_load_idx %arg9[%add3A_886, %broadcast_in_dim3A_960] : memref<512x32xf32, #tpu.memory_space<vmem>>[vector<16xi32>, vector<16xi32>], vector<16xf32>,
      %gather3A_962 = tpu.vector_load_idx %arg10[%add3A_886, %broadcast_in_dim3A_960] : memref<512x32xf32, #tpu.memory_space<vmem>>[vector<16xi32>, vector<16xi32>], vector<16xf32>,
      %mul3A_963 = arith.mulf %gather3A_961, %gather3A_962 : vector<16xf32>
      %add3A_964 = arith.addf %add3A_958, %mul3A_963 : vector<16xf32>
      %broadcast_in_dim3A_965 = arith.constant 13 : i32
      %broadcast_in_dim3A_966 = vector.broadcast %broadcast_in_dim3A_965 : i32 to vector<16xi32>
      %gather3A_967 = tpu.vector_load_idx %arg9[%add3A_886, %broadcast_in_dim3A_966] : memref<512x32xf32, #tpu.memory_space<vmem>>[vector<16xi32>, vector<16xi32>], vector<16xf32>,
      %gather3A_968 = tpu.vector_load_idx %arg10[%add3A_886, %broadcast_in_dim3A_966] : memref<512x32xf32, #tpu.memory_space<vmem>>[vector<16xi32>, vector<16xi32>], vector<16xf32>,
      %mul3A_969 = arith.mulf %gather3A_967, %gather3A_968 : vector<16xf32>
      %add3A_970 = arith.addf %add3A_964, %mul3A_969 : vector<16xf32>
      %broadcast_in_dim3A_971 = arith.constant 14 : i32
      %broadcast_in_dim3A_972 = vector.broadcast %broadcast_in_dim3A_971 : i32 to vector<16xi32>
      %gather3A_973 = tpu.vector_load_idx %arg9[%add3A_886, %broadcast_in_dim3A_972] : memref<512x32xf32, #tpu.memory_space<vmem>>[vector<16xi32>, vector<16xi32>], vector<16xf32>,
      %gather3A_974 = tpu.vector_load_idx %arg10[%add3A_886, %broadcast_in_dim3A_972] : memref<512x32xf32, #tpu.memory_space<vmem>>[vector<16xi32>, vector<16xi32>], vector<16xf32>,
      %mul3A_975 = arith.mulf %gather3A_973, %gather3A_974 : vector<16xf32>
      %add3A_976 = arith.addf %add3A_970, %mul3A_975 : vector<16xf32>
      %broadcast_in_dim3A_977 = arith.constant 15 : i32
      %broadcast_in_dim3A_978 = vector.broadcast %broadcast_in_dim3A_977 : i32 to vector<16xi32>
      %gather3A_979 = tpu.vector_load_idx %arg9[%add3A_886, %broadcast_in_dim3A_978] : memref<512x32xf32, #tpu.memory_space<vmem>>[vector<16xi32>, vector<16xi32>], vector<16xf32>,
      %gather3A_980 = tpu.vector_load_idx %arg10[%add3A_886, %broadcast_in_dim3A_978] : memref<512x32xf32, #tpu.memory_space<vmem>>[vector<16xi32>, vector<16xi32>], vector<16xf32>,
      %mul3A_981 = arith.mulf %gather3A_979, %gather3A_980 : vector<16xf32>
      %add3A_982 = arith.addf %add3A_976, %mul3A_981 : vector<16xf32>
      %broadcast_in_dim3A_983 = arith.constant 16 : i32
      %broadcast_in_dim3A_984 = vector.broadcast %broadcast_in_dim3A_983 : i32 to vector<16xi32>
      %gather3A_985 = tpu.vector_load_idx %arg9[%add3A_886, %broadcast_in_dim3A_984] : memref<512x32xf32, #tpu.memory_space<vmem>>[vector<16xi32>, vector<16xi32>], vector<16xf32>,
      %gather3A_986 = tpu.vector_load_idx %arg10[%add3A_886, %broadcast_in_dim3A_984] : memref<512x32xf32, #tpu.memory_space<vmem>>[vector<16xi32>, vector<16xi32>], vector<16xf32>,
      %mul3A_987 = arith.mulf %gather3A_985, %gather3A_986 : vector<16xf32>
      %add3A_988 = arith.addf %add3A_982, %mul3A_987 : vector<16xf32>
      %broadcast_in_dim3A_989 = arith.constant 17 : i32
      %broadcast_in_dim3A_990 = vector.broadcast %broadcast_in_dim3A_989 : i32 to vector<16xi32>
      %gather3A_991 = tpu.vector_load_idx %arg9[%add3A_886, %broadcast_in_dim3A_990] : memref<512x32xf32, #tpu.memory_space<vmem>>[vector<16xi32>, vector<16xi32>], vector<16xf32>,
      %gather3A_992 = tpu.vector_load_idx %arg10[%add3A_886, %broadcast_in_dim3A_990] : memref<512x32xf32, #tpu.memory_space<vmem>>[vector<16xi32>, vector<16xi32>], vector<16xf32>,
      %mul3A_993 = arith.mulf %gather3A_991, %gather3A_992 : vector<16xf32>
      %add3A_994 = arith.addf %add3A_988, %mul3A_993 : vector<16xf32>
      %broadcast_in_dim3A_995 = arith.constant 18 : i32
      %broadcast_in_dim3A_996 = vector.broadcast %broadcast_in_dim3A_995 : i32 to vector<16xi32>
      %gather3A_997 = tpu.vector_load_idx %arg9[%add3A_886, %broadcast_in_dim3A_996] : memref<512x32xf32, #tpu.memory_space<vmem>>[vector<16xi32>, vector<16xi32>], vector<16xf32>,
      %gather3A_998 = tpu.vector_load_idx %arg10[%add3A_886, %broadcast_in_dim3A_996] : memref<512x32xf32, #tpu.memory_space<vmem>>[vector<16xi32>, vector<16xi32>], vector<16xf32>,
      %mul3A_999 = arith.mulf %gather3A_997, %gather3A_998 : vector<16xf32>
      %add3A_1000 = arith.addf %add3A_994, %mul3A_999 : vector<16xf32>
      %broadcast_in_dim3A_1001 = arith.constant 19 : i32
      %broadcast_in_dim3A_1002 = vector.broadcast %broadcast_in_dim3A_1001 : i32 to vector<16xi32>
      %gather3A_1003 = tpu.vector_load_idx %arg9[%add3A_886, %broadcast_in_dim3A_1002] : memref<512x32xf32, #tpu.memory_space<vmem>>[vector<16xi32>, vector<16xi32>], vector<16xf32>,
      %gather3A_1004 = tpu.vector_load_idx %arg10[%add3A_886, %broadcast_in_dim3A_1002] : memref<512x32xf32, #tpu.memory_space<vmem>>[vector<16xi32>, vector<16xi32>], vector<16xf32>,
      %mul3A_1005 = arith.mulf %gather3A_1003, %gather3A_1004 : vector<16xf32>
      %add3A_1006 = arith.addf %add3A_1000, %mul3A_1005 : vector<16xf32>
      %broadcast_in_dim3A_1007 = arith.constant 20 : i32
      %broadcast_in_dim3A_1008 = vector.broadcast %broadcast_in_dim3A_1007 : i32 to vector<16xi32>
      %gather3A_1009 = tpu.vector_load_idx %arg9[%add3A_886, %broadcast_in_dim3A_1008] : memref<512x32xf32, #tpu.memory_space<vmem>>[vector<16xi32>, vector<16xi32>], vector<16xf32>,
      %gather3A_1010 = tpu.vector_load_idx %arg10[%add3A_886, %broadcast_in_dim3A_1008] : memref<512x32xf32, #tpu.memory_space<vmem>>[vector<16xi32>, vector<16xi32>], vector<16xf32>,
      %mul3A_1011 = arith.mulf %gather3A_1009, %gather3A_1010 : vector<16xf32>
      %add3A_1012 = arith.addf %add3A_1006, %mul3A_1011 : vector<16xf32>
      %broadcast_in_dim3A_1013 = arith.constant 21 : i32
      %broadcast_in_dim3A_1014 = vector.broadcast %broadcast_in_dim3A_1013 : i32 to vector<16xi32>
      %gather3A_1015 = tpu.vector_load_idx %arg9[%add3A_886, %broadcast_in_dim3A_1014] : memref<512x32xf32, #tpu.memory_space<vmem>>[vector<16xi32>, vector<16xi32>], vector<16xf32>,
      %gather3A_1016 = tpu.vector_load_idx %arg10[%add3A_886, %broadcast_in_dim3A_1014] : memref<512x32xf32, #tpu.memory_space<vmem>>[vector<16xi32>, vector<16xi32>], vector<16xf32>,
      %mul3A_1017 = arith.mulf %gather3A_1015, %gather3A_1016 : vector<16xf32>
      %add3A_1018 = arith.addf %add3A_1012, %mul3A_1017 : vector<16xf32>
      %broadcast_in_dim3A_1019 = arith.constant 22 : i32
      %broadcast_in_dim3A_1020 = vector.broadcast %broadcast_in_dim3A_1019 : i32 to vector<16xi32>
      %gather3A_1021 = tpu.vector_load_idx %arg9[%add3A_886, %broadcast_in_dim3A_1020] : memref<512x32xf32, #tpu.memory_space<vmem>>[vector<16xi32>, vector<16xi32>], vector<16xf32>,
      %gather3A_1022 = tpu.vector_load_idx %arg10[%add3A_886, %broadcast_in_dim3A_1020] : memref<512x32xf32, #tpu.memory_space<vmem>>[vector<16xi32>, vector<16xi32>], vector<16xf32>,
      %mul3A_1023 = arith.mulf %gather3A_1021, %gather3A_1022 : vector<16xf32>
      %add3A_1024 = arith.addf %add3A_1018, %mul3A_1023 : vector<16xf32>
      %broadcast_in_dim3A_1025 = arith.constant 23 : i32
      %broadcast_in_dim3A_1026 = vector.broadcast %broadcast_in_dim3A_1025 : i32 to vector<16xi32>
      %gather3A_1027 = tpu.vector_load_idx %arg9[%add3A_886, %broadcast_in_dim3A_1026] : memref<512x32xf32, #tpu.memory_space<vmem>>[vector<16xi32>, vector<16xi32>], vector<16xf32>,
      %gather3A_1028 = tpu.vector_load_idx %arg10[%add3A_886, %broadcast_in_dim3A_1026] : memref<512x32xf32, #tpu.memory_space<vmem>>[vector<16xi32>, vector<16xi32>], vector<16xf32>,
      %mul3A_1029 = arith.mulf %gather3A_1027, %gather3A_1028 : vector<16xf32>
      %add3A_1030 = arith.addf %add3A_1024, %mul3A_1029 : vector<16xf32>
      %broadcast_in_dim3A_1031 = arith.constant 24 : i32
      %broadcast_in_dim3A_1032 = vector.broadcast %broadcast_in_dim3A_1031 : i32 to vector<16xi32>
      %gather3A_1033 = tpu.vector_load_idx %arg9[%add3A_886, %broadcast_in_dim3A_1032] : memref<512x32xf32, #tpu.memory_space<vmem>>[vector<16xi32>, vector<16xi32>], vector<16xf32>,
      %gather3A_1034 = tpu.vector_load_idx %arg10[%add3A_886, %broadcast_in_dim3A_1032] : memref<512x32xf32, #tpu.memory_space<vmem>>[vector<16xi32>, vector<16xi32>], vector<16xf32>,
      %mul3A_1035 = arith.mulf %gather3A_1033, %gather3A_1034 : vector<16xf32>
      %add3A_1036 = arith.addf %add3A_1030, %mul3A_1035 : vector<16xf32>
      %broadcast_in_dim3A_1037 = arith.constant 25 : i32
      %broadcast_in_dim3A_1038 = vector.broadcast %broadcast_in_dim3A_1037 : i32 to vector<16xi32>
      %gather3A_1039 = tpu.vector_load_idx %arg9[%add3A_886, %broadcast_in_dim3A_1038] : memref<512x32xf32, #tpu.memory_space<vmem>>[vector<16xi32>, vector<16xi32>], vector<16xf32>,
      %gather3A_1040 = tpu.vector_load_idx %arg10[%add3A_886, %broadcast_in_dim3A_1038] : memref<512x32xf32, #tpu.memory_space<vmem>>[vector<16xi32>, vector<16xi32>], vector<16xf32>,
      %mul3A_1041 = arith.mulf %gather3A_1039, %gather3A_1040 : vector<16xf32>
      %add3A_1042 = arith.addf %add3A_1036, %mul3A_1041 : vector<16xf32>
      %broadcast_in_dim3A_1043 = arith.constant 26 : i32
      %broadcast_in_dim3A_1044 = vector.broadcast %broadcast_in_dim3A_1043 : i32 to vector<16xi32>
      %gather3A_1045 = tpu.vector_load_idx %arg9[%add3A_886, %broadcast_in_dim3A_1044] : memref<512x32xf32, #tpu.memory_space<vmem>>[vector<16xi32>, vector<16xi32>], vector<16xf32>,
      %gather3A_1046 = tpu.vector_load_idx %arg10[%add3A_886, %broadcast_in_dim3A_1044] : memref<512x32xf32, #tpu.memory_space<vmem>>[vector<16xi32>, vector<16xi32>], vector<16xf32>,
      %mul3A_1047 = arith.mulf %gather3A_1045, %gather3A_1046 : vector<16xf32>
      %add3A_1048 = arith.addf %add3A_1042, %mul3A_1047 : vector<16xf32>
      %broadcast_in_dim3A_1049 = arith.constant 27 : i32
      %broadcast_in_dim3A_1050 = vector.broadcast %broadcast_in_dim3A_1049 : i32 to vector<16xi32>
      %gather3A_1051 = tpu.vector_load_idx %arg9[%add3A_886, %broadcast_in_dim3A_1050] : memref<512x32xf32, #tpu.memory_space<vmem>>[vector<16xi32>, vector<16xi32>], vector<16xf32>,
      %gather3A_1052 = tpu.vector_load_idx %arg10[%add3A_886, %broadcast_in_dim3A_1050] : memref<512x32xf32, #tpu.memory_space<vmem>>[vector<16xi32>, vector<16xi32>], vector<16xf32>,
      %mul3A_1053 = arith.mulf %gather3A_1051, %gather3A_1052 : vector<16xf32>
      %add3A_1054 = arith.addf %add3A_1048, %mul3A_1053 : vector<16xf32>
      %broadcast_in_dim3A_1055 = arith.constant 28 : i32
      %broadcast_in_dim3A_1056 = vector.broadcast %broadcast_in_dim3A_1055 : i32 to vector<16xi32>
      %gather3A_1057 = tpu.vector_load_idx %arg9[%add3A_886, %broadcast_in_dim3A_1056] : memref<512x32xf32, #tpu.memory_space<vmem>>[vector<16xi32>, vector<16xi32>], vector<16xf32>,
      %gather3A_1058 = tpu.vector_load_idx %arg10[%add3A_886, %broadcast_in_dim3A_1056] : memref<512x32xf32, #tpu.memory_space<vmem>>[vector<16xi32>, vector<16xi32>], vector<16xf32>,
      %mul3A_1059 = arith.mulf %gather3A_1057, %gather3A_1058 : vector<16xf32>
      %add3A_1060 = arith.addf %add3A_1054, %mul3A_1059 : vector<16xf32>
      %broadcast_in_dim3A_1061 = arith.constant 29 : i32
      %broadcast_in_dim3A_1062 = vector.broadcast %broadcast_in_dim3A_1061 : i32 to vector<16xi32>
      %gather3A_1063 = tpu.vector_load_idx %arg9[%add3A_886, %broadcast_in_dim3A_1062] : memref<512x32xf32, #tpu.memory_space<vmem>>[vector<16xi32>, vector<16xi32>], vector<16xf32>,
      %gather3A_1064 = tpu.vector_load_idx %arg10[%add3A_886, %broadcast_in_dim3A_1062] : memref<512x32xf32, #tpu.memory_space<vmem>>[vector<16xi32>, vector<16xi32>], vector<16xf32>,
      %mul3A_1065 = arith.mulf %gather3A_1063, %gather3A_1064 : vector<16xf32>
      %add3A_1066 = arith.addf %add3A_1060, %mul3A_1065 : vector<16xf32>
      %broadcast_in_dim3A_1067 = arith.constant 30 : i32
      %broadcast_in_dim3A_1068 = vector.broadcast %broadcast_in_dim3A_1067 : i32 to vector<16xi32>
      %gather3A_1069 = tpu.vector_load_idx %arg9[%add3A_886, %broadcast_in_dim3A_1068] : memref<512x32xf32, #tpu.memory_space<vmem>>[vector<16xi32>, vector<16xi32>], vector<16xf32>,
      %gather3A_1070 = tpu.vector_load_idx %arg10[%add3A_886, %broadcast_in_dim3A_1068] : memref<512x32xf32, #tpu.memory_space<vmem>>[vector<16xi32>, vector<16xi32>], vector<16xf32>,
      %mul3A_1071 = arith.mulf %gather3A_1069, %gather3A_1070 : vector<16xf32>
      %add3A_1072 = arith.addf %add3A_1066, %mul3A_1071 : vector<16xf32>
      %broadcast_in_dim3A_1073 = arith.constant 31 : i32
      %broadcast_in_dim3A_1074 = vector.broadcast %broadcast_in_dim3A_1073 : i32 to vector<16xi32>
      %gather3A_1075 = tpu.vector_load_idx %arg9[%add3A_886, %broadcast_in_dim3A_1074] : memref<512x32xf32, #tpu.memory_space<vmem>>[vector<16xi32>, vector<16xi32>], vector<16xf32>,
      %gather3A_1076 = tpu.vector_load_idx %arg10[%add3A_886, %broadcast_in_dim3A_1074] : memref<512x32xf32, #tpu.memory_space<vmem>>[vector<16xi32>, vector<16xi32>], vector<16xf32>,
      %mul3A_1077 = arith.mulf %gather3A_1075, %gather3A_1076 : vector<16xf32>
      %add3A_1078 = arith.addf %add3A_1072, %mul3A_1077 : vector<16xf32>
      %mul3A_1079 = arith.constant 5.000000e+00 : f32
      %mul3A_1080 = vector.broadcast %mul3A_1079 : f32 to vector<16xf32>
      %mul3A_1081 = arith.mulf %add3A_1078, %mul3A_1080 : vector<16xf32>
      %mul3A_1082 = arith.constant 16 : i32
      %mul3A_1083 = arith.muli %scan3A_882, %mul3A_1082 : i32
      %swap3A_1084 = arith.index_cast %mul3A_1083 : i32 to index
      %swap3A_1085 = tpu.vector_load %arg11[%swap3A_1084] {strides = array<i32>} : memref<512xf32, #tpu.memory_space<vmem>>, vector<16xf32>,
      tpu.vector_store %arg11[%swap3A_1084], %mul3A_1081 {strides = array<i32>} : memref<512xf32, #tpu.memory_space<vmem>>, vector<16xf32>,
    }
    %scan3A_881 = arith.constant 32 : i32
    "tpu.region"() ({
      %run_scoped3A_882 = tpu.sem_alloc : memref<!tpu.dma_semaphore, #tpu.memory_space<semaphore_mem>>
      %dma_start3A_883 = arith.constant 0 : i32
      %dma_start3A_884 = tpu.memref_slice %arg11[%dma_start3A_883] : memref<512xf32, #tpu.memory_space<vmem>> -> memref<512xf32, #tpu.memory_space<vmem>>
      %dma_start3A_885 = tpu.memref_slice %arg6[%mul3A_2] : memref<16384xf32, #tpu.memory_space<hbm>> -> memref<512xf32, #tpu.memory_space<hbm>>
      %dma_start3A_886 = tpu.memref_slice %arg6[%mul3A_2] : memref<16384xf32, #tpu.memory_space<hbm>> -> memref<512xf32, #tpu.memory_space<hbm>>
      %dma_start3A_887 = arith.constant 0 : i32
      %dma_start3A_888 = tpu.memref_slice %arg11[%dma_start3A_887] : memref<512xf32, #tpu.memory_space<vmem>> -> memref<512xf32, #tpu.memory_space<vmem>>
      tpu.enqueue_dma source(%dma_start3A_888 : memref<512xf32, #tpu.memory_space<vmem>>) target(%dma_start3A_886 : memref<512xf32, #tpu.memory_space<hbm>>) target_semaphore(%run_scoped3A_882 : memref<!tpu.dma_semaphore, #tpu.memory_space<semaphore_mem>>)
      %dma_wait3A_889 = arith.constant 0 : i32
      %dma_wait3A_890 = tpu.memref_slice %arg11[%dma_wait3A_889] : memref<512xf32, #tpu.memory_space<vmem>> -> memref<512xf32, #tpu.memory_space<vmem>>
      %dma_wait3A_891 = tpu.memref_slice %arg6[%mul3A_2] : memref<16384xf32, #tpu.memory_space<hbm>> -> memref<512xf32, #tpu.memory_space<hbm>>
      %dma_wait3A_892 = tpu.memref_slice %arg6[%mul3A_2] : memref<16384xf32, #tpu.memory_space<hbm>> -> memref<512xf32, #tpu.memory_space<hbm>>
      %dma_wait3A_893 = arith.constant 0 : i32
      %dma_wait3A_894 = tpu.memref_slice %arg11[%dma_wait3A_893] : memref<512xf32, #tpu.memory_space<vmem>> -> memref<512xf32, #tpu.memory_space<vmem>>
      tpu.wait_dma2 semaphore(%run_scoped3A_882 : memref<!tpu.dma_semaphore, #tpu.memory_space<semaphore_mem>>) src(%dma_wait3A_894 : memref<512xf32, #tpu.memory_space<vmem>>) dst(%dma_wait3A_892 : memref<512xf32, #tpu.memory_space<hbm>>)
      tpu.yield
    }) : () -> ()
    return
  }
}

</mosaic_0001>

<sc_bundles>
// kernel: _mf_forward.3.cloned.1.call-start
scs
__scs_entry_jumppad:
0x0: {  	(pc) =	sbr.rel $0x88, $3  }
0x1: {  	(tag) =	ssettag $0x0;
	lr =	simm.s32 $0x1  }
0x2: {  	[smem:$0x3F9D] =	sst lr;
	_ =	strace $0xD0000000  }
0x3: {  	_ = 	snop  }
0x4: {  	_ = 	snop  }
0x5: {  	_ = 	snop  }
0x6: {  	_ = 	snop  }
0x7: {  	_ = 	snop  }
__scs_overlays_trampoline_lowered:
0x8: {  	[smem:$0x3FAC] =	sst s0  }
0x9: {  	[smem:$0x3FAD] =	sst s1  }
0xa: {  	[smem:$0x3FAE] =	sst s2  }
0xb: {  	[smem:$0x3FAF] =	sst s3  }
0xc: {  	[smem:$0x3FB0] =	sst s4  }
0xd: {  	[smem:$0x3FB1] =	sst s5  }
0xe: {  	[smem:$0x3FB2] =	sst s6  }
0xf: {  	[smem:$0x3FB3] =	sst s7  }
0x10: {  	[smem:$0x3FB4] =	sst s8  }
0x11: {  	[smem:$0x3FB5] =	sst s9;
	s0 =	simm.s32 @!p0 $0x0  }
0x12: {  	s1 =	sld [smem:$0x3F9B];
	s0 =	simm.s32 @p0 $0x1  }
0x13: {  	[smem:$0x3FB6] =	sst s0;
	s0 =	simm.s32 @!p1 $0x0  }
0x14: {  	s2 =	sld [smem:$0x3F9A];
	s0 =	simm.s32 @p1 $0x1  }
0x15: {  	[smem:$0x3FB7] =	sst s0;
	s0 =	simm.s32 @!p2 $0x0  }
0x16: {  	s3 =	sld [smem:$0x3FDB];
	s0 =	simm.s32 @p2 $0x1  }
0x17: {  	s4 =	simm.s32 $0x1BF5;
	[smem:$0x3FB9] =	sst s0  }
0x18: {  	s0 =	sld [smem:$0x3F9C];
	_ =	swait.ge [sflag:s4], $0x0  }
0x19: {  	s7 =	sld [smem:$0x3F9D]  }
0x1a: {  	s8 =	sadd.s32 $0xFFFFE003, lr  }
0x1b: {  	s9 =	sadd.s32 $0xFFFFFEF7, lr;
	s5 =	simm.s32 $0xFFFFFFFF;
	p2 =	slt.u32 s8, $0xFFFFF086  }
0x1c: {  	p1 =	slt.u32 s9, $0xF7A;
	s5 =	simm.s32 @!p2 $0x0  }
0x1d: {  	s5 =	simm.s32 @p1 $0x1;
	p0 =	seq.s32 s7, s2  }
0x1e: {  	s7 =	smul.u32 @!p0 $0xF7A, s2;
	p2 =	seq.s32 @!p0 s5, $0x0  }
0x1f: {  	s9 =	smul.u32 $0xF7A, s1;
	s8 =	simm.s32 @!p0 $0x1BF5;
	p2 =	por !p2, p0  }
0x20: {  	[sflag:s8] =	ssyncset.s32 @!p0 $0xFFFFF086;
	s6 =	sadd.s32 @!p0 s3, s7;
	s7 =	simm.s32 @!p0 $0x108  }
0x21: {  	s3 =	sadd.s32 s3, s9;
	s6 =	sadd.s32 @!p0 $0x88, s6;
	s7 =	simm.s32 @p2 $0x1082  }
0x22: {  	[simem:s7], [sflag:s8] =	dma.local @!p0 [hbm:s6], $0xF7A  }
0x23: {  	s9 =	sor.u32 $0xD0000000, s2;
	s6 =	simm.s32 $0x108;
	_ =	swait.ge @!p0 [sflag:s8], $0x0  }
0x24: {  	s3 =	sadd.s32 $0x88, s3;
	s6 =	simm.s32 @!p1 $0x1082;
	[sflag:s4] =	ssyncset.s32 $0xFFFFF086  }
0x25: {  	[simem:s6], [sflag:s4] =	dma.local [hbm:s3], $0xF7A  }
0x26: {  	[smem:$0x3F9D] =	sst s1;
	(tag) =	ssettag s2;
	_ =	strace s9  }
0x27: {  	s1 =	sld [smem:$0x3FAD]  }
0x28: {  	s2 =	sld [smem:$0x3FAE]  }
0x29: {  	s4 =	sld [smem:$0x3FB0]  }
0x2a: {  	p0 =	seq.s32 s5, $0x0;
	s5 =	sld [smem:$0x3FB1]  }
0x2b: {  	s6 =	sld [smem:$0x3FB2]  }
0x2c: {  	s7 =	sld [smem:$0x3FB3]  }
0x2d: {  	s3 =	simm.s32 $0x108;
	s8 =	sld [smem:$0x3FB4]  }
0x2e: {  	s3 =	simm.s32 @!p0 $0x1082;
	s9 =	sld [smem:$0x3FB5]  }
0x2f: {  	lr =	sadd.s32 s0, s3;
	s0 =	sld [smem:$0x3FAC]  }
0x30: {  	s3 =	sld [smem:$0x3FAF]  }
0x31: {  	[smem:$0x3FB8] =	sst s10  }
0x32: {  	s10 =	sld [smem:$0x3FB6];
	_ =	sdelay $0x3  }
0x33: {  	p0 =	seq.s32 s10, $0x1;
	s10 =	sld [smem:$0x3FB8];
	_ =	sdelay $0x3  }
0x34: {  	[smem:$0x3FB8] =	sst s10  }
0x35: {  	s10 =	sld [smem:$0x3FB7];
	_ =	sdelay $0x3  }
0x36: {  	p1 =	seq.s32 s10, $0x1;
	s10 =	sld [smem:$0x3FB8];
	_ =	sdelay $0x3  }
0x37: {  	[smem:$0x3FB8] =	sst s10  }
0x38: {  	s10 =	sld [smem:$0x3FB9]  }
0x39: {  	_ = 	snop;
	(pc) =	sbr.ind lr, $3  }
0x3a: {  	_ = 	snop  }
0x3b: {  	_ = 	snop  }
0x3c: {  	p2 =	seq.s32 s10, $0x1;
	s10 =	sld [smem:$0x3FB8]  }
0x3d: {  	_ =	shalt  }
0x3e: {  	_ =	shalt  }
0x3f: {  	_ =	shalt  }
0x40: {  	_ =	shalt  }
0x41: {  	_ =	shalt  }
0x42: {  	_ =	shalt  }
0x43: {  	_ =	shalt  }
0x44: {  	_ =	shalt  }
0x45: {  	_ =	shalt  }
0x46: {  	_ =	shalt  }
0x47: {  	_ =	shalt  }
0x48: {  	_ =	shalt  }
0x49: {  	_ =	shalt  }
0x4a: {  	_ =	shalt  }
0x4b: {  	_ =	shalt  }
0x4c: {  	_ =	shalt  }
0x4d: {  	_ =	shalt  }
0x4e: {  	_ =	shalt  }
0x4f: {  	_ =	shalt  }
0x50: {  	_ =	shalt  }
0x51: {  	_ =	shalt  }
0x52: {  	_ =	shalt  }
0x53: {  	_ =	shalt  }
0x54: {  	_ =	shalt  }
0x55: {  	_ =	shalt  }
0x56: {  	_ =	shalt  }
0x57: {  	_ =	shalt  }
0x58: {  	_ =	shalt  }
0x59: {  	_ =	shalt  }
0x5a: {  	_ =	shalt  }
0x5b: {  	_ =	shalt  }
0x5c: {  	_ =	shalt  }
0x5d: {  	_ =	shalt  }
0x5e: {  	_ =	shalt  }
0x5f: {  	_ =	shalt  }
0x60: {  	_ =	shalt  }
0x61: {  	_ =	shalt  }
0x62: {  	_ =	shalt  }
0x63: {  	_ =	shalt  }
0x64: {  	_ =	shalt  }
0x65: {  	_ =	shalt  }
0x66: {  	_ =	shalt  }
0x67: {  	_ =	shalt  }
0x68: {  	_ =	shalt  }
0x69: {  	_ =	shalt  }
0x6a: {  	_ =	shalt  }
0x6b: {  	_ =	shalt  }
0x6c: {  	_ =	shalt  }
0x6d: {  	_ =	shalt  }
0x6e: {  	_ =	shalt  }
0x6f: {  	_ =	shalt  }
0x70: {  	_ =	shalt  }
0x71: {  	_ =	shalt  }
0x72: {  	_ =	shalt  }
0x73: {  	_ =	shalt  }
0x74: {  	_ =	shalt  }
0x75: {  	_ =	shalt  }
0x76: {  	_ =	shalt  }
0x77: {  	_ =	shalt  }
0x78: {  	_ =	shalt  }
0x79: {  	_ =	shalt  }
0x7a: {  	_ =	shalt  }
0x7b: {  	_ =	shalt  }
0x7c: {  	_ =	shalt  }
0x7d: {  	_ =	shalt  }
0x7e: {  	_ =	shalt  }
0x7f: {  	_ =	shalt  }
0x80: {  	_ =	shalt  }
0x81: {  	_ =	shalt  }
0x82: {  	_ =	shalt  }
0x83: {  	_ =	shalt  }
0x84: {  	_ =	shalt  }
0x85: {  	_ =	shalt  }
0x86: {  	_ =	shalt  }
0x87: {  	_ =	shalt  }
.Lfunc_end0:
.L_simem_size_0:
called_computation_lowered:
.L_overlay_start_0:
0x88: {  	s2 =	sld [smem:$0x3FD9]  }
0x89: {  	s3 =	sld [smem:$0x3FFE];
	_ =	sdelay $0x1  }
0x8a: {  	s1 =	srdreg.scid  }
0x8b: {  	s0 =	sand.u32 $0x1, s1  }
0x8c: {  	s17 =	sshll.u32 s0, $0xA;
	s2 =	sadd.s32 s3, s2  }
0x8d: {  	s2 =	sadd.s32 s2, s17  }
0x8e: {  	[smem:$0x3FC4] =	sst s2  }
0x8f: {  	_ = 	snop  }
0x90: {  	s2 =	sld [smem:$0x3FC9]  }
0x91: {  	s18 =	sld [smem:$0x3FC8]  }
0x92: {  	s4 =	sld [smem:$0x3FD0];
	(tm) =	ssettm $0x1  }
0x93: {  	s5 =	sld [smem:$0x3FFB];
	_ =	sdelay $0x3  }
0x94: {  	_ =	strace s5  }
0x95: {  	s5 =	sld [smem:$0x3FFC];
	_ =	sdelay $0x3  }
0x96: {  	_ =	strace s5  }
0x97: {  	s5 =	sld [smem:$0x3FFD];
	_ =	sdelay $0x3  }
0x98: {  	_ =	strace s5  }
0x99: {  	_ =	strace $0x8FFFFFFF  }
0x9a: {  	s19 =	sld [smem:$0x3FDB];
	_ =	sdelay $0x1  }
0x9b: {  	s6 =	simm.s32 $_scs_section_size  }
0x9c: {  	s7 =	simm.s32 $_size__tile_overlayer_lowered;
	s8 =	simm.s32 $_tile_overlayer_lowered  }
0x9d: {  	s22 =	simm.s32 $0x1BFF;
	s21 =	sshll.u32 s8, $0x1;
	s5 =	sadd.s32 s6, s19  }
0x9e: {  	s9 =	simm.s32 $0x0;
	s20 =	sshll.u32 s7, $0x1;
	s7 =	sadd.s32 s21, s5  }
0x9f: {  	[timem:s9], [sflag:s22] =	dma.local [hbm:s7], s20  }
0xa0: {  	_ =	swait.ge [sflag:s22], s20  }
0xa1: {  	s6 =	ssub.s32 $0x0, s20;
	[sflag:s22] =	ssyncset.done $0x0  }
0xa2: {  	[sflag:s22] =	ssyncadd.s32 s6;
	_ =	sdelay $0x1  }
0xa3: {  	s23 =	simm.s32 $0x1B8B  }
0xa4: {  	_ =	swait.ge [sflag:s23], $0x1  }
0xa5: {  	[sflag:s23] =	ssyncset.done $0x0  }
0xa6: {  	s25 =	simm.s32 $0x1B8E;
	s24 =	sld [smem:$0x3FFE];
	[sflag:s23] =	ssyncadd.s32 $0xFFFFFFFF  }
0xa7: {  	s26 =	simm.s32 $execute0_lowered;
	[smem:$0x3FD2] =	sst s25  }
0xa8: {  	s7 =	sshll.u32 s26, $0x1;
	_ =	strace $0x80000046;
	[dreg:$0x1] =	wrdreg $0xFFFFFFFF  }
0xa9: {  	s28 =	simm.s32 $_size_execute0_lowered;
	s5 =	sadd.s32 s5, s7;
	[dreg:$0x0] =	wrdreg $0x0  }
0xaa: {  	s7 =	sshll.u32 s28, $0x1;
	[dreg:$0x2] =	wrdreg s5  }
0xab: {  	[dreg:$0x3] =	wrdreg s7  }
0xac: {  	[dreg:$0x4] =	wrdreg $0xC0  }
0xad: {  	_ =	task [dreg:s9], $0x5FFFF  }
0xae: {  	[dreg:$0x1] =	wrdreg $0xFFFFFFFF  }
0xaf: {  	[dreg:$0x0] =	wrdreg $0x60  }
0xb0: {  	[dreg:$0x2] =	wrdreg s2  }
0xb1: {  	[dreg:$0x3] =	wrdreg s18  }
0xb2: {  	[dreg:$0x4] =	wrdreg s24  }
0xb3: {  	[dreg:$0x5] =	wrdreg s4  }
0xb4: {  	[dreg:$0x6] =	wrdreg $0x9  }
0xb5: {  	_ =	task.clear_ibuf [dreg:s9], $0x7FFFF;
	_ =	strace $0x90000046  }
0xb6: {  	s29 =	simm.s32 $0x9;
	_ =	strace $0x80000048  }
0xb7: {  	_ =	swait.ge [sflag:s29], $0x1  }
0xb8: {  	[sflag:s29] =	ssyncadd.s32 $0xFFFFFFFF  }
0xb9: {  	_ =	strace $0x90000048  }
0xba: {  	_ =	sfence  }
0xbb: {  	s30 =	sld [smem:$0x0];
	_ =	sdelay $0x2  }
0xbc: {  	s31 =	sshll.u32 s1, $0xD;
	s1 =	sshrl.u32 s1, $0x2  }
0xbd: {  	s3 =	sand.u32 $0x4000, s31;
	s1 =	sadd.s32 s1, s30  }
0xbe: {  	s0 =	sor.u32 s3, s0;
	s1 =	sshll.u32 s1, $0x11  }
0xbf: {  	s0 =	sor.u32 s1, s0  }
0xc0: {  	s0 =	sadd.s32 $0x8F2B, s0  }
0xc1: {  	[sflag:s0] =	ssyncadd.remote.s32 $0x1  }
0xc2: {  	_ =	sfence.sel $0xFFFF  }
0xc3: {  	[dreg:$0x0] =	wrdreg $0xFFFFFFFF;
	(pc) =	sbr.abs _section_cstart, $3  }
0xc4: {  	[dreg:$0x1] =	wrdreg $0xFFFFFFFF  }
0xc5: {  	_ =	task.clear_ibuf [dreg:s9], $0x2FFFF;
	_ =	strace $0x9FFFFFFF  }
0xc6: {  	(tm) =	ssettm $0x7FFFFFFF  }
0xc7: {  	_ =	shalt  }
tec
execute0_lowered:
.L_overlay_start_1:
0x0: {  	(tag) =	ssettag $0x1  }
0x1: {  	s0 =	rddreg [dreg:$0x0]  }
0x2: {  	s2 =	rddreg [dreg:$0x1]  }
0x3: {  	s4 =	rddreg [dreg:$0x2]  }
0x4: {  	s13 =	rddreg [dreg:$0x3];
	s1 =	simm.s32 $0x0  }
0x5: {  	s5 =	srdreg.scid;
	s7 =	stileid.u32;
	s16 =	simm.s32 $0x200  }
0x6: {  	s17 =	simm.s32 $0x80;
	s18 =	simm.s32 $0x280;
	s19 =	simm.s32 $0x100  }
0x7: {  	s20 =	simm.s32 $0x300;
	s21 =	simm.s32 $0x180;
	s22 =	simm.s32 $0x380  }
0x8: {  	s23 =	simm.s32 $0x400;
	s24 =	simm.s32 $0x4400;
	s29 =	simm.s32 $0x6400  }
0x9: {  	s30 =	simm.s32 $0x3400;
	s31 =	simm.s32 $0x7400;
	s25 =	simm.s32 $0x0  }
0xa: {  	[smem:$0x7FF] =	sst s1;
	s3 =	sadd.s32 $0xF42800, s4;
	s5 =	sand.u32 $0x1, s5  }
0xb: {  	s7 =	sshll.u32 s7, $0x7;
	s6 =	ssub.s32 $0x2, s5;
	s5 =	sshll.u32 s5, $0x6  }
0xc: {  	s4 =	sadd.s32 $0x1313200, s4;
	s8 =	sshrl.u32 s6, $0x1;
	s14 =	sor.u32 s5, s7  }
0xd: {  	_ =	strace $0x80000047;
	s15 =	ssub.s32 s6, s8;
	s5 =	sadd.s32 s0, s14  }
0xe: {  	s28 =	sor.u32 $0x10, s14;
	s6 =	sadd.s32 s2, s14;
	s10 =	sor.u32 $0x20, s14  }
0xf: {  	s12 =	sor.u32 $0x30, s14;
	s13 =	sadd.s32 s13, s14;
	s7 =	sadd.s32 s0, s28  }
0x10: {  	v0 =	vlaneseq.u32;
	s8 =	sadd.s32 s2, s28;
	s9 =	sadd.s32 s0, s10;
	s10 =	sadd.s32 s2, s10  }
0x11: {  	v0 =	vmul.u32 $0x20, v0;
	s11 =	sadd.s32 s0, s12;
	s12 =	sadd.s32 s2, s12;
	s14 =	smax.u32 s15, $0x1  }
0x12: {  	s15 =	simm.s32 $0x2;
	s0 =	simm.s32 $0x1;
	s2 =	simm.s32 $0x8400  }
.LBB2_1:
0x13: {  	[tilespmem:s1], [sflag:$0x2] =	stream.linear.gather [hbm4b:s5+s1], $0x80, $0x38;
	[tilespmem:$0x8600] =	vst v63  }
0x14: {  	_ =	swait.ge [sflag:s15], $0x80  }
0x15: {  	[sflag:s15] =	ssyncset.done $0x0  }
0x16: {  	[sflag:s15] =	ssyncadd.s32 $0xFFFFFF80  }
0x17: {  	[tilespmem:s16], [sflag:$0x2] =	stream.linear.gather [hbm4b:s6+s1], $0x80, $0x38;
	[tilespmem:$0x8600] =	vst v63  }
0x18: {  	_ =	swait.ge [sflag:s15], $0x80  }
0x19: {  	[sflag:s15] =	ssyncset.done $0x0  }
0x1a: {  	[sflag:s15] =	ssyncadd.s32 $0xFFFFFF80  }
0x1b: {  	[tilespmem:s17], [sflag:$0x2] =	stream.linear.gather [hbm4b:s7+s1], $0x80, $0x38;
	[tilespmem:$0x8600] =	vst v63  }
0x1c: {  	_ =	swait.ge [sflag:s15], $0x80  }
0x1d: {  	[sflag:s15] =	ssyncset.done $0x0  }
0x1e: {  	[sflag:s15] =	ssyncadd.s32 $0xFFFFFF80  }
0x1f: {  	[tilespmem:s18], [sflag:$0x2] =	stream.linear.gather [hbm4b:s8+s1], $0x80, $0x38;
	[tilespmem:$0x8600] =	vst v63  }
0x20: {  	_ =	swait.ge [sflag:s15], $0x80  }
0x21: {  	[sflag:s15] =	ssyncset.done $0x0  }
0x22: {  	[sflag:s15] =	ssyncadd.s32 $0xFFFFFF80  }
0x23: {  	[tilespmem:s19], [sflag:$0x2] =	stream.linear.gather [hbm4b:s9+s1], $0x80, $0x38;
	[tilespmem:$0x8600] =	vst v63  }
0x24: {  	_ =	swait.ge [sflag:s15], $0x80  }
0x25: {  	[sflag:s15] =	ssyncset.done $0x0  }
0x26: {  	[sflag:s15] =	ssyncadd.s32 $0xFFFFFF80  }
0x27: {  	[tilespmem:s20], [sflag:$0x2] =	stream.linear.gather [hbm4b:s10+s1], $0x80, $0x38;
	[tilespmem:$0x8600] =	vst v63  }
0x28: {  	_ =	swait.ge [sflag:s15], $0x80  }
0x29: {  	[sflag:s15] =	ssyncset.done $0x0  }
0x2a: {  	[sflag:s15] =	ssyncadd.s32 $0xFFFFFF80  }
0x2b: {  	[tilespmem:s21], [sflag:$0x2] =	stream.linear.gather [hbm4b:s11+s1], $0x80, $0x38;
	[tilespmem:$0x8600] =	vst v63  }
0x2c: {  	_ =	swait.ge [sflag:s15], $0x80  }
0x2d: {  	[sflag:s15] =	ssyncset.done $0x0  }
0x2e: {  	[sflag:s15] =	ssyncadd.s32 $0xFFFFFF80  }
0x2f: {  	[tilespmem:s22], [sflag:$0x2] =	stream.linear.gather [hbm4b:s12+s1], $0x80, $0x38;
	[tilespmem:$0x8600] =	vst v63  }
0x30: {  	_ =	swait.ge [sflag:s15], $0x80  }
0x31: {  	[sflag:s15] =	ssyncset.done $0x0  }
0x32: {  	[sflag:s15] =	ssyncadd.s32 $0xFFFFFF80  }
0x33: {  	v1 =	vld [tilespmem:$0x0]  }
0x34: {  	v2 =	vld [tilespmem:$0x200]  }
0x35: {  	v3 =	vld [tilespmem:$0x10]  }
0x36: {  	v4 =	vld [tilespmem:$0x210]  }
0x37: {  	v5 =	vld [tilespmem:$0x20]  }
0x38: {  	v6 =	vld [tilespmem:$0x220];
	v1 =	vadd.s32 $0xFFFFFFFF, v1  }
0x39: {  	[tilespmem:$0x0] =	vst v1;
	v1 =	vadd.s32 $0xFFFFFFFF, v2;
	v2 =	vld [tilespmem:$0x30]  }
0x3a: {  	[tilespmem:$0x200] =	vst v1;
	v1 =	vadd.s32 $0xFFFFFFFF, v3;
	v3 =	vld [tilespmem:$0x230]  }
0x3b: {  	[tilespmem:$0x10] =	vst v1;
	v1 =	vadd.s32 $0xFFFFFFFF, v4;
	v4 =	vld [tilespmem:$0x40]  }
0x3c: {  	[tilespmem:$0x210] =	vst v1;
	v1 =	vadd.s32 $0xFFFFFFFF, v5;
	v5 =	vld [tilespmem:$0x240]  }
0x3d: {  	v20 =	vld [tilespmem:$0x50];
	[tilespmem:$0x20] =	vst v1;
	v1 =	vadd.s32 $0xFFFFFFFF, v6  }
0x3e: {  	[tilespmem:$0x220] =	vst v1;
	v1 =	vadd.s32 $0xFFFFFFFF, v2;
	v2 =	vld [tilespmem:$0x250]  }
0x3f: {  	[tilespmem:$0x30] =	vst v1;
	v1 =	vadd.s32 $0xFFFFFFFF, v3;
	v3 =	vld [tilespmem:$0x60]  }
0x40: {  	[tilespmem:$0x230] =	vst v1;
	v1 =	vadd.s32 $0xFFFFFFFF, v4;
	v4 =	vld [tilespmem:$0x260]  }
0x41: {  	[tilespmem:$0x40] =	vst v1;
	v1 =	vadd.s32 $0xFFFFFFFF, v5;
	v5 =	vld [tilespmem:$0x70]  }
0x42: {  	v21 =	vld [tilespmem:$0x270];
	[tilespmem:$0x240] =	vst v1;
	v1 =	vadd.s32 $0xFFFFFFFF, v20  }
0x43: {  	[tilespmem:$0x50] =	vst v1;
	v1 =	vadd.s32 $0xFFFFFFFF, v2;
	v2 =	vld [tilespmem:$0x80]  }
0x44: {  	[tilespmem:$0x250] =	vst v1;
	v1 =	vadd.s32 $0xFFFFFFFF, v3;
	v3 =	vld [tilespmem:$0x280]  }
0x45: {  	[tilespmem:$0x60] =	vst v1;
	v1 =	vadd.s32 $0xFFFFFFFF, v4;
	v4 =	vld [tilespmem:$0x90]  }
0x46: {  	[tilespmem:$0x260] =	vst v1;
	v1 =	vadd.s32 $0xFFFFFFFF, v5;
	v5 =	vld [tilespmem:$0x290]  }
0x47: {  	v22 =	vld [tilespmem:$0xA0];
	[tilespmem:$0x70] =	vst v1;
	v1 =	vadd.s32 $0xFFFFFFFF, v21  }
0x48: {  	[tilespmem:$0x270] =	vst v1;
	v1 =	vadd.s32 $0xFFFFFFFF, v2;
	v2 =	vld [tilespmem:$0x2A0]  }
0x49: {  	[tilespmem:$0x80] =	vst v1;
	v1 =	vadd.s32 $0xFFFFFFFF, v3;
	v3 =	vld [tilespmem:$0xB0]  }
0x4a: {  	[tilespmem:$0x280] =	vst v1;
	v1 =	vadd.s32 $0xFFFFFFFF, v4;
	v4 =	vld [tilespmem:$0x2B0]  }
0x4b: {  	[tilespmem:$0x90] =	vst v1;
	v1 =	vadd.s32 $0xFFFFFFFF, v5;
	v5 =	vld [tilespmem:$0xC0]  }
0x4c: {  	v23 =	vld [tilespmem:$0x2C0];
	[tilespmem:$0x290] =	vst v1;
	v1 =	vadd.s32 $0xFFFFFFFF, v22  }
0x4d: {  	[tilespmem:$0xA0] =	vst v1;
	v1 =	vadd.s32 $0xFFFFFFFF, v2;
	v2 =	vld [tilespmem:$0xD0]  }
0x4e: {  	[tilespmem:$0x2A0] =	vst v1;
	v1 =	vadd.s32 $0xFFFFFFFF, v3;
	v3 =	vld [tilespmem:$0x2D0]  }
0x4f: {  	[tilespmem:$0xB0] =	vst v1;
	v1 =	vadd.s32 $0xFFFFFFFF, v4;
	v4 =	vld [tilespmem:$0xE0]  }
0x50: {  	[tilespmem:$0x2B0] =	vst v1;
	v1 =	vadd.s32 $0xFFFFFFFF, v5;
	v5 =	vld [tilespmem:$0x2E0]  }
0x51: {  	v24 =	vld [tilespmem:$0xF0];
	[tilespmem:$0xC0] =	vst v1;
	v1 =	vadd.s32 $0xFFFFFFFF, v23  }
0x52: {  	[tilespmem:$0x2C0] =	vst v1;
	v1 =	vadd.s32 $0xFFFFFFFF, v2;
	v2 =	vld [tilespmem:$0x2F0]  }
0x53: {  	[tilespmem:$0xD0] =	vst v1;
	v1 =	vadd.s32 $0xFFFFFFFF, v3;
	v3 =	vld [tilespmem:$0x100]  }
0x54: {  	[tilespmem:$0x2D0] =	vst v1;
	v1 =	vadd.s32 $0xFFFFFFFF, v4;
	v4 =	vld [tilespmem:$0x300]  }
0x55: {  	[tilespmem:$0xE0] =	vst v1;
	v1 =	vadd.s32 $0xFFFFFFFF, v5;
	v5 =	vld [tilespmem:$0x110]  }
0x56: {  	v25 =	vld [tilespmem:$0x310];
	[tilespmem:$0x2E0] =	vst v1;
	v1 =	vadd.s32 $0xFFFFFFFF, v24  }
0x57: {  	[tilespmem:$0xF0] =	vst v1;
	v1 =	vadd.s32 $0xFFFFFFFF, v2;
	v2 =	vld [tilespmem:$0x120]  }
0x58: {  	[tilespmem:$0x2F0] =	vst v1;
	v1 =	vadd.s32 $0xFFFFFFFF, v3;
	v3 =	vld [tilespmem:$0x320]  }
0x59: {  	[tilespmem:$0x100] =	vst v1;
	v1 =	vadd.s32 $0xFFFFFFFF, v4;
	v4 =	vld [tilespmem:$0x130]  }
0x5a: {  	[tilespmem:$0x300] =	vst v1;
	v1 =	vadd.s32 $0xFFFFFFFF, v5;
	v5 =	vld [tilespmem:$0x330]  }
0x5b: {  	v26 =	vld [tilespmem:$0x140];
	[tilespmem:$0x110] =	vst v1;
	v1 =	vadd.s32 $0xFFFFFFFF, v25  }
0x5c: {  	[tilespmem:$0x310] =	vst v1;
	v1 =	vadd.s32 $0xFFFFFFFF, v2;
	v2 =	vld [tilespmem:$0x340]  }
0x5d: {  	[tilespmem:$0x120] =	vst v1;
	v1 =	vadd.s32 $0xFFFFFFFF, v3;
	v3 =	vld [tilespmem:$0x150]  }
0x5e: {  	[tilespmem:$0x320] =	vst v1;
	v1 =	vadd.s32 $0xFFFFFFFF, v4;
	v4 =	vld [tilespmem:$0x350]  }
0x5f: {  	[tilespmem:$0x130] =	vst v1;
	v1 =	vadd.s32 $0xFFFFFFFF, v5;
	v5 =	vld [tilespmem:$0x160]  }
0x60: {  	v27 =	vld [tilespmem:$0x360];
	[tilespmem:$0x330] =	vst v1;
	v1 =	vadd.s32 $0xFFFFFFFF, v26  }
0x61: {  	[tilespmem:$0x140] =	vst v1;
	v1 =	vadd.s32 $0xFFFFFFFF, v2;
	v2 =	vld [tilespmem:$0x170]  }
0x62: {  	[tilespmem:$0x340] =	vst v1;
	v1 =	vadd.s32 $0xFFFFFFFF, v3;
	v3 =	vld [tilespmem:$0x370]  }
0x63: {  	[tilespmem:$0x150] =	vst v1;
	v1 =	vadd.s32 $0xFFFFFFFF, v4;
	v4 =	vld [tilespmem:$0x180]  }
0x64: {  	[tilespmem:$0x350] =	vst v1;
	v1 =	vadd.s32 $0xFFFFFFFF, v5;
	v5 =	vld [tilespmem:$0x380]  }
0x65: {  	v28 =	vld [tilespmem:$0x190];
	[tilespmem:$0x160] =	vst v1;
	v1 =	vadd.s32 $0xFFFFFFFF, v27  }
0x66: {  	[tilespmem:$0x360] =	vst v1;
	v1 =	vadd.s32 $0xFFFFFFFF, v2;
	v2 =	vld [tilespmem:$0x390]  }
0x67: {  	[tilespmem:$0x170] =	vst v1;
	v1 =	vadd.s32 $0xFFFFFFFF, v3;
	v3 =	vld [tilespmem:$0x1A0]  }
0x68: {  	[tilespmem:$0x370] =	vst v1;
	v1 =	vadd.s32 $0xFFFFFFFF, v4;
	v4 =	vld [tilespmem:$0x3A0]  }
0x69: {  	[tilespmem:$0x180] =	vst v1;
	v1 =	vadd.s32 $0xFFFFFFFF, v5;
	v5 =	vld [tilespmem:$0x1B0]  }
0x6a: {  	v29 =	vld [tilespmem:$0x3B0];
	[tilespmem:$0x380] =	vst v1;
	v1 =	vadd.s32 $0xFFFFFFFF, v28  }
0x6b: {  	[tilespmem:$0x190] =	vst v1;
	v1 =	vadd.s32 $0xFFFFFFFF, v2;
	v2 =	vld [tilespmem:$0x1C0]  }
0x6c: {  	[tilespmem:$0x390] =	vst v1;
	v1 =	vadd.s32 $0xFFFFFFFF, v3;
	v3 =	vld [tilespmem:$0x3C0]  }
0x6d: {  	[tilespmem:$0x1A0] =	vst v1;
	v1 =	vadd.s32 $0xFFFFFFFF, v4;
	v4 =	vld [tilespmem:$0x1D0]  }
0x6e: {  	[tilespmem:$0x3A0] =	vst v1;
	v1 =	vadd.s32 $0xFFFFFFFF, v5;
	v5 =	vld [tilespmem:$0x3D0]  }
0x6f: {  	v30 =	vld [tilespmem:$0x1E0];
	[tilespmem:$0x1B0] =	vst v1;
	v1 =	vadd.s32 $0xFFFFFFFF, v29  }
0x70: {  	[tilespmem:$0x3B0] =	vst v1;
	v1 =	vadd.s32 $0xFFFFFFFF, v2;
	v2 =	vld [tilespmem:$0x3E0]  }
0x71: {  	[tilespmem:$0x1C0] =	vst v1;
	v1 =	vadd.s32 $0xFFFFFFFF, v3;
	v3 =	vld [tilespmem:$0x1F0]  }
0x72: {  	[tilespmem:$0x3C0] =	vst v1;
	v1 =	vadd.s32 $0xFFFFFFFF, v4;
	v4 =	vld [tilespmem:$0x3F0]  }
0x73: {  	[tilespmem:$0x1D0] =	vst v1;
	v1 =	vadd.s32 $0xFFFFFFFF, v5  }
0x74: {  	[tilespmem:$0x3D0] =	vst v1;
	v1 =	vadd.s32 $0xFFFFFFFF, v30  }
0x75: {  	[tilespmem:$0x1E0] =	vst v1;
	v1 =	vadd.s32 $0xFFFFFFFF, v2  }
0x76: {  	[tilespmem:$0x3E0] =	vst v1;
	v1 =	vadd.s32 $0xFFFFFFFF, v3  }
0x77: {  	[tilespmem:$0x1F0] =	vst v1;
	v1 =	vadd.s32 $0xFFFFFFFF, v4  }
0x78: {  	[tilespmem:$0x3F0] =	vst v1  }
0x79: {  	[tilespmem:s23], [sflag:$0x1] =	stream.indirect.gather [hbm4b:s3+s17], $0x20, s1, s17, $0xb8;
	[tilespmem:$0x8600] =	vst v63  }
0x7a: {  	_ = 	snop  }
0x7b: {  	[tilespmem:s24], [sflag:$0x1] =	stream.indirect.gather [hbm4b:s4+s17], $0x20, s16, s17, $0xb8;
	[tilespmem:$0x8600] =	vst v63  }
0x7c: {  	s26 =	simm.s32 $0x1400  }
0x7d: {  	[tilespmem:s26], [sflag:$0x1] =	stream.indirect.gather [hbm4b:s3+s17], $0x20, s17, s17, $0xb8;
	[tilespmem:$0x8600] =	vst v63  }
0x7e: {  	s26 =	simm.s32 $0x5400  }
0x7f: {  	[tilespmem:s26], [sflag:$0x1] =	stream.indirect.gather [hbm4b:s4+s17], $0x20, s18, s17, $0xb8;
	[tilespmem:$0x8600] =	vst v63  }
0x80: {  	s26 =	simm.s32 $0x2400  }
0x81: {  	[tilespmem:s26], [sflag:$0x1] =	stream.indirect.gather [hbm4b:s3+s17], $0x20, s19, s17, $0xb8;
	[tilespmem:$0x8600] =	vst v63  }
0x82: {  	_ = 	snop  }
0x83: {  	[tilespmem:s29], [sflag:$0x1] =	stream.indirect.gather [hbm4b:s4+s17], $0x20, s20, s17, $0xb8;
	[tilespmem:$0x8600] =	vst v63  }
0x84: {  	_ = 	snop  }
0x85: {  	[tilespmem:s30], [sflag:$0x1] =	stream.indirect.gather [hbm4b:s3+s17], $0x20, s21, s17, $0xb8;
	[tilespmem:$0x8600] =	vst v63  }
0x86: {  	_ = 	snop  }
0x87: {  	[tilespmem:s31], [sflag:$0x1] =	stream.indirect.gather [hbm4b:s4+s17], $0x20, s22, s17, $0xb8;
	[tilespmem:$0x8600] =	vst v63  }
0x88: {  	_ =	swait.ge [sflag:s0], $0x1000  }
0x89: {  	[sflag:s0] =	ssyncset.done $0x0  }
0x8a: {  	[sflag:s0] =	ssyncadd.s32 $0xFFFFF000  }
0x8b: {  	_ =	swait.ge [sflag:s0], $0x1000  }
0x8c: {  	[sflag:s0] =	ssyncset.done $0x0  }
0x8d: {  	[sflag:s0] =	ssyncadd.s32 $0xFFFFF000  }
0x8e: {  	_ =	swait.ge [sflag:s0], $0x1000  }
0x8f: {  	[sflag:s0] =	ssyncset.done $0x0  }
0x90: {  	[sflag:s0] =	ssyncadd.s32 $0xFFFFF000  }
0x91: {  	_ =	swait.ge [sflag:s0], $0x1000  }
0x92: {  	[sflag:s0] =	ssyncset.done $0x0  }
0x93: {  	[sflag:s0] =	ssyncadd.s32 $0xFFFFF000  }
0x94: {  	_ =	swait.ge [sflag:s0], $0x1000  }
0x95: {  	[sflag:s0] =	ssyncset.done $0x0  }
0x96: {  	[sflag:s0] =	ssyncadd.s32 $0xFFFFF000  }
0x97: {  	_ =	swait.ge [sflag:s0], $0x1000  }
0x98: {  	[sflag:s0] =	ssyncset.done $0x0  }
0x99: {  	v1 =	vmov s1;
	[sflag:s0] =	ssyncadd.s32 $0xFFFFF000  }
0x9a: {  	v1 =	vshll.u32 v1, $0x5;
	_ =	swait.ge [sflag:s0], $0x1000  }
0x9b: {  	v1 =	vor.u32 v0, v1;
	[sflag:s0] =	ssyncset.done $0x0  }
0x9c: {  	[sflag:s0] =	ssyncadd.s32 $0xFFFFF000  }
0x9d: {  	v2 =	vor.u32 $0x1, v1;
	_ =	swait.ge [sflag:s0], $0x1000  }
0x9e: {  	[sflag:s0] =	ssyncset.done $0x0  }
0x9f: {  	v3 =	vor.u32 $0x2, v1;
	[sflag:s0] =	ssyncadd.s32 $0xFFFFF000  }
0xa0: {  	v4 =	vld.idx.msk [tilespmem:v1+s24+$0x0], $0xffff  }
0xa1: {  	v31 =	vor.u32 $0x3, v1;
	v5 =	vld.idx.msk [tilespmem:v1+s23+$0x0], $0xffff  }
0xa2: {  	v7 =	vld.idx.msk [tilespmem:v2+s23+$0x0], $0xffff  }
0xa3: {  	v8 =	vor.u32 $0x4, v1;
	v2 =	vld.idx.msk [tilespmem:v2+s24+$0x0], $0xffff  }
0xa4: {  	v9 =	vld.idx.msk [tilespmem:v3+s23+$0x0], $0xffff  }
0xa5: {  	v10 =	vor.u32 $0x5, v1;
	v3 =	vld.idx.msk [tilespmem:v3+s24+$0x0], $0xffff  }
0xa6: {  	v11 =	vld.idx.msk [tilespmem:v31+s23+$0x0], $0xffff;
	v4 =	vmul.f32 v4, v5  }
0xa7: {  	v32 =	vor.u32 $0x6, v1;
	v5 =	vld.idx.msk [tilespmem:v31+s24+$0x0], $0xffff  }
0xa8: {  	v12 =	vld.idx.msk [tilespmem:v8+s23+$0x0], $0xffff;
	v2 =	vmul.f32 v2, v7;
	v4 =	vadd.f32 $0.0e+00, v4  }
0xa9: {  	v34 =	vor.u32 $0x7, v1;
	v33 =	vld.idx.msk [tilespmem:v8+s24+$0x0], $0xffff  }
0xaa: {  	v13 =	vld.idx.msk [tilespmem:v10+s23+$0x0], $0xffff;
	v3 =	vmul.f32 v3, v9;
	v2 =	vadd.f32 v2, v4  }
0xab: {  	v35 =	vor.u32 $0x8, v1;
	v4 =	vld.idx.msk [tilespmem:v10+s24+$0x0], $0xffff  }
0xac: {  	v36 =	vld.idx.msk [tilespmem:v32+s23+$0x0], $0xffff;
	v2 =	vadd.f32 v3, v2;
	v3 =	vmul.f32 v5, v11  }
0xad: {  	v37 =	vor.u32 $0x9, v1;
	v5 =	vld.idx.msk [tilespmem:v32+s24+$0x0], $0xffff  }
0xae: {  	v38 =	vld.idx.msk [tilespmem:v34+s23+$0x0], $0xffff;
	v2 =	vadd.f32 v3, v2;
	v3 =	vmul.f32 v33, v12  }
0xaf: {  	v40 =	vor.u32 $0xA, v1;
	v39 =	vld.idx.msk [tilespmem:v34+s24+$0x0], $0xffff  }
0xb0: {  	v41 =	vld.idx.msk [tilespmem:v35+s23+$0x0], $0xffff;
	v2 =	vadd.f32 v3, v2;
	v3 =	vmul.f32 v4, v13  }
0xb1: {  	v42 =	vor.u32 $0xB, v1;
	v4 =	vld.idx.msk [tilespmem:v35+s24+$0x0], $0xffff  }
0xb2: {  	v43 =	vld.idx.msk [tilespmem:v37+s23+$0x0], $0xffff;
	v2 =	vadd.f32 v3, v2;
	v3 =	vmul.f32 v5, v36  }
0xb3: {  	v44 =	vor.u32 $0xC, v1;
	v5 =	vld.idx.msk [tilespmem:v37+s24+$0x0], $0xffff  }
0xb4: {  	v45 =	vld.idx.msk [tilespmem:v40+s23+$0x0], $0xffff;
	v2 =	vadd.f32 v3, v2;
	v3 =	vmul.f32 v39, v38  }
0xb5: {  	v47 =	vor.u32 $0xD, v1;
	v46 =	vld.idx.msk [tilespmem:v40+s24+$0x0], $0xffff  }
0xb6: {  	v48 =	vld.idx.msk [tilespmem:v42+s23+$0x0], $0xffff;
	v2 =	vadd.f32 v3, v2;
	v3 =	vmul.f32 v4, v41  }
0xb7: {  	v49 =	vor.u32 $0xE, v1;
	v4 =	vld.idx.msk [tilespmem:v42+s24+$0x0], $0xffff  }
0xb8: {  	v50 =	vld.idx.msk [tilespmem:v44+s23+$0x0], $0xffff;
	v2 =	vadd.f32 v3, v2;
	v3 =	vmul.f32 v5, v43  }
0xb9: {  	v51 =	vor.u32 $0xF, v1;
	v5 =	vld.idx.msk [tilespmem:v44+s24+$0x0], $0xffff  }
0xba: {  	v52 =	vld.idx.msk [tilespmem:v47+s23+$0x0], $0xffff;
	v2 =	vadd.f32 v3, v2;
	v3 =	vmul.f32 v46, v45  }
0xbb: {  	v54 =	vor.u32 $0x10, v1;
	v53 =	vld.idx.msk [tilespmem:v47+s24+$0x0], $0xffff  }
0xbc: {  	v55 =	vld.idx.msk [tilespmem:v49+s23+$0x0], $0xffff;
	v2 =	vadd.f32 v3, v2;
	v3 =	vmul.f32 v4, v48  }
0xbd: {  	v56 =	vor.u32 $0x11, v1;
	v4 =	vld.idx.msk [tilespmem:v49+s24+$0x0], $0xffff  }
0xbe: {  	v57 =	vld.idx.msk [tilespmem:v51+s23+$0x0], $0xffff;
	v2 =	vadd.f32 v3, v2;
	v3 =	vmul.f32 v5, v50  }
0xbf: {  	v58 =	vor.u32 $0x12, v1;
	v5 =	vld.idx.msk [tilespmem:v51+s24+$0x0], $0xffff  }
0xc0: {  	v59 =	vld.idx.msk [tilespmem:v54+s23+$0x0], $0xffff;
	v2 =	vadd.f32 v3, v2;
	v3 =	vmul.f32 v53, v52  }
0xc1: {  	v61 =	vor.u32 $0x13, v1;
	v60 =	vld.idx.msk [tilespmem:v54+s24+$0x0], $0xffff  }
0xc2: {  	v62 =	vld.idx.msk [tilespmem:v56+s23+$0x0], $0xffff;
	v2 =	vadd.f32 v3, v2;
	v3 =	vmul.f32 v4, v55  }
0xc3: {  	v63 =	vor.u32 $0x14, v1;
	v4 =	vld.idx.msk [tilespmem:v56+s24+$0x0], $0xffff  }
0xc4: {  	v16 =	vld.idx.msk [tilespmem:v58+s23+$0x0], $0xffff;
	v2 =	vadd.f32 v3, v2;
	v3 =	vmul.f32 v5, v57  }
0xc5: {  	v17 =	vor.u32 $0x15, v1;
	v5 =	vld.idx.msk [tilespmem:v58+s24+$0x0], $0xffff  }
0xc6: {  	v18 =	vld.idx.msk [tilespmem:v61+s23+$0x0], $0xffff;
	v2 =	vadd.f32 v3, v2;
	v3 =	vmul.f32 v60, v59  }
0xc7: {  	v20 =	vor.u32 $0x16, v1;
	v19 =	vld.idx.msk [tilespmem:v61+s24+$0x0], $0xffff  }
0xc8: {  	v21 =	vld.idx.msk [tilespmem:v63+s23+$0x0], $0xffff;
	v2 =	vadd.f32 v3, v2;
	v3 =	vmul.f32 v4, v62  }
0xc9: {  	v22 =	vor.u32 $0x17, v1;
	v4 =	vld.idx.msk [tilespmem:v63+s24+$0x0], $0xffff  }
0xca: {  	v23 =	vld.idx.msk [tilespmem:v17+s23+$0x0], $0xffff;
	v2 =	vadd.f32 v3, v2;
	v3 =	vmul.f32 v5, v16  }
0xcb: {  	v24 =	vor.u32 $0x18, v1;
	v5 =	vld.idx.msk [tilespmem:v17+s24+$0x0], $0xffff  }
0xcc: {  	v25 =	vld.idx.msk [tilespmem:v20+s23+$0x0], $0xffff;
	v2 =	vadd.f32 v3, v2;
	v3 =	vmul.f32 v19, v18  }
0xcd: {  	v27 =	vor.u32 $0x19, v1;
	v26 =	vld.idx.msk [tilespmem:v20+s24+$0x0], $0xffff  }
0xce: {  	v28 =	vld.idx.msk [tilespmem:v22+s23+$0x0], $0xffff;
	v2 =	vadd.f32 v3, v2;
	v3 =	vmul.f32 v4, v21  }
0xcf: {  	v29 =	vor.u32 $0x1A, v1;
	v4 =	vld.idx.msk [tilespmem:v22+s24+$0x0], $0xffff  }
0xd0: {  	v30 =	vld.idx.msk [tilespmem:v24+s23+$0x0], $0xffff;
	v2 =	vadd.f32 v3, v2;
	v3 =	vmul.f32 v5, v23  }
0xd1: {  	v31 =	vor.u32 $0x1B, v1;
	v5 =	vld.idx.msk [tilespmem:v24+s24+$0x0], $0xffff  }
0xd2: {  	v32 =	vld.idx.msk [tilespmem:v27+s23+$0x0], $0xffff;
	v2 =	vadd.f32 v3, v2;
	v3 =	vmul.f32 v26, v25  }
0xd3: {  	v34 =	vor.u32 $0x1C, v1;
	v33 =	vld.idx.msk [tilespmem:v27+s24+$0x0], $0xffff  }
0xd4: {  	v35 =	vld.idx.msk [tilespmem:v29+s23+$0x0], $0xffff;
	v2 =	vadd.f32 v3, v2;
	v3 =	vmul.f32 v4, v28  }
0xd5: {  	v36 =	vor.u32 $0x1D, v1;
	v4 =	vld.idx.msk [tilespmem:v29+s24+$0x0], $0xffff  }
0xd6: {  	v37 =	vld.idx.msk [tilespmem:v31+s23+$0x0], $0xffff;
	v2 =	vadd.f32 v3, v2;
	v3 =	vmul.f32 v5, v30  }
0xd7: {  	v38 =	vor.u32 $0x1E, v1;
	v5 =	vld.idx.msk [tilespmem:v31+s24+$0x0], $0xffff  }
0xd8: {  	v40 =	vld.idx.msk [tilespmem:v34+s24+$0x0], $0xffff;
	v2 =	vadd.f32 v3, v2;
	v3 =	vmul.f32 v33, v32  }
0xd9: {  	v39 =	vld.idx.msk [tilespmem:v34+s23+$0x0], $0xffff;
	v1 =	vor.u32 $0x1F, v1  }
0xda: {  	v41 =	vld.idx.msk [tilespmem:v36+s23+$0x0], $0xffff;
	v2 =	vadd.f32 v3, v2;
	v3 =	vmul.f32 v4, v35  }
0xdb: {  	v4 =	vld.idx.msk [tilespmem:v36+s24+$0x0], $0xffff  }
0xdc: {  	v42 =	vld.idx.msk [tilespmem:v38+s23+$0x0], $0xffff;
	v2 =	vadd.f32 v3, v2;
	v3 =	vmul.f32 v5, v37  }
0xdd: {  	v5 =	vld.idx.msk [tilespmem:v38+s24+$0x0], $0xffff  }
0xde: {  	v43 =	vld.idx.msk [tilespmem:v1+s23+$0x0], $0xffff;
	v2 =	vadd.f32 v3, v2;
	v3 =	vmul.f32 v40, v39  }
0xdf: {  	v1 =	vld.idx.msk [tilespmem:v1+s24+$0x0], $0xffff  }
0xe0: {  	v2 =	vadd.f32 v3, v2;
	v3 =	vmul.f32 v4, v41;
	_ =	sdelay $0x1  }
0xe1: {  	v2 =	vadd.f32 v3, v2;
	v3 =	vmul.f32 v5, v42  }
0xe2: {  	s26 =	simm.s32 $0x10  }
0xe3: {  	v4 =	vmov s26;
	v2 =	vadd.f32 v3, v2;
	v3 =	vmul.f32 v1, v43  }
0xe4: {  	v1 =	vshll.u32 v4, $0x5  }
0xe5: {  	v1 =	vor.u32 v0, v1;
	v2 =	vadd.f32 v3, v2;
	_ =	sdelay $0x1  }
0xe6: {  	v3 =	vor.u32 $0x1, v1;
	v2 =	vmul.f32 $5.000000000e+00, v2;
	_ =	sdelay $0x1  }
0xe7: {  	v4 =	vor.u32 $0x2, v1;
	[tilespmem:s2+$0x0] =	vst v2  }
0xe8: {  	v2 =	vld.idx.msk [tilespmem:v1+s24+$0x0], $0xffff  }
0xe9: {  	v44 =	vor.u32 $0x3, v1;
	v5 =	vld.idx.msk [tilespmem:v1+s23+$0x0], $0xffff  }
0xea: {  	v45 =	vld.idx.msk [tilespmem:v3+s23+$0x0], $0xffff  }
0xeb: {  	v46 =	vor.u32 $0x4, v1;
	v3 =	vld.idx.msk [tilespmem:v3+s24+$0x0], $0xffff  }
0xec: {  	v47 =	vld.idx.msk [tilespmem:v4+s23+$0x0], $0xffff  }
0xed: {  	v48 =	vor.u32 $0x5, v1;
	v4 =	vld.idx.msk [tilespmem:v4+s24+$0x0], $0xffff  }
0xee: {  	v49 =	vld.idx.msk [tilespmem:v44+s23+$0x0], $0xffff;
	v2 =	vmul.f32 v2, v5  }
0xef: {  	v50 =	vor.u32 $0x6, v1;
	v5 =	vld.idx.msk [tilespmem:v44+s24+$0x0], $0xffff  }
0xf0: {  	v51 =	vld.idx.msk [tilespmem:v46+s23+$0x0], $0xffff;
	v3 =	vmul.f32 v3, v45;
	v2 =	vadd.f32 $0.0e+00, v2  }
0xf1: {  	v53 =	vor.u32 $0x7, v1;
	v52 =	vld.idx.msk [tilespmem:v46+s24+$0x0], $0xffff  }
0xf2: {  	v54 =	vld.idx.msk [tilespmem:v48+s23+$0x0], $0xffff;
	v2 =	vadd.f32 v3, v2;
	v3 =	vmul.f32 v4, v47  }
0xf3: {  	v55 =	vor.u32 $0x8, v1;
	v4 =	vld.idx.msk [tilespmem:v48+s24+$0x0], $0xffff  }
0xf4: {  	v56 =	vld.idx.msk [tilespmem:v50+s23+$0x0], $0xffff;
	v2 =	vadd.f32 v3, v2;
	v3 =	vmul.f32 v5, v49  }
0xf5: {  	v57 =	vor.u32 $0x9, v1;
	v5 =	vld.idx.msk [tilespmem:v50+s24+$0x0], $0xffff  }
0xf6: {  	v58 =	vld.idx.msk [tilespmem:v53+s23+$0x0], $0xffff;
	v2 =	vadd.f32 v3, v2;
	v3 =	vmul.f32 v52, v51  }
0xf7: {  	v60 =	vor.u32 $0xA, v1;
	v59 =	vld.idx.msk [tilespmem:v53+s24+$0x0], $0xffff  }
0xf8: {  	v61 =	vld.idx.msk [tilespmem:v55+s23+$0x0], $0xffff;
	v2 =	vadd.f32 v3, v2;
	v3 =	vmul.f32 v4, v54  }
0xf9: {  	v62 =	vor.u32 $0xB, v1;
	v4 =	vld.idx.msk [tilespmem:v55+s24+$0x0], $0xffff  }
0xfa: {  	v63 =	vld.idx.msk [tilespmem:v57+s23+$0x0], $0xffff;
	v2 =	vadd.f32 v3, v2;
	v3 =	vmul.f32 v5, v56  }
0xfb: {  	v16 =	vor.u32 $0xC, v1;
	v5 =	vld.idx.msk [tilespmem:v57+s24+$0x0], $0xffff  }
0xfc: {  	v17 =	vld.idx.msk [tilespmem:v60+s23+$0x0], $0xffff;
	v2 =	vadd.f32 v3, v2;
	v3 =	vmul.f32 v59, v58  }
0xfd: {  	v19 =	vor.u32 $0xD, v1;
	v18 =	vld.idx.msk [tilespmem:v60+s24+$0x0], $0xffff  }
0xfe: {  	v20 =	vld.idx.msk [tilespmem:v62+s23+$0x0], $0xffff;
	v2 =	vadd.f32 v3, v2;
	v3 =	vmul.f32 v4, v61  }
0xff: {  	v21 =	vor.u32 $0xE, v1;
	v4 =	vld.idx.msk [tilespmem:v62+s24+$0x0], $0xffff  }
0x100: {  	v22 =	vld.idx.msk [tilespmem:v16+s23+$0x0], $0xffff;
	v2 =	vadd.f32 v3, v2;
	v3 =	vmul.f32 v5, v63  }
0x101: {  	v23 =	vor.u32 $0xF, v1;
	v5 =	vld.idx.msk [tilespmem:v16+s24+$0x0], $0xffff  }
0x102: {  	v24 =	vld.idx.msk [tilespmem:v19+s23+$0x0], $0xffff;
	v2 =	vadd.f32 v3, v2;
	v3 =	vmul.f32 v18, v17  }
0x103: {  	v26 =	vor.u32 $0x10, v1;
	v25 =	vld.idx.msk [tilespmem:v19+s24+$0x0], $0xffff  }
0x104: {  	v27 =	vld.idx.msk [tilespmem:v21+s23+$0x0], $0xffff;
	v2 =	vadd.f32 v3, v2;
	v3 =	vmul.f32 v4, v20  }
0x105: {  	v28 =	vor.u32 $0x11, v1;
	v4 =	vld.idx.msk [tilespmem:v21+s24+$0x0], $0xffff  }
0x106: {  	v29 =	vld.idx.msk [tilespmem:v23+s23+$0x0], $0xffff;
	v2 =	vadd.f32 v3, v2;
	v3 =	vmul.f32 v5, v22  }
0x107: {  	v30 =	vor.u32 $0x12, v1;
	v5 =	vld.idx.msk [tilespmem:v23+s24+$0x0], $0xffff  }
0x108: {  	v31 =	vld.idx.msk [tilespmem:v26+s23+$0x0], $0xffff;
	v2 =	vadd.f32 v3, v2;
	v3 =	vmul.f32 v25, v24  }
0x109: {  	v33 =	vor.u32 $0x13, v1;
	v32 =	vld.idx.msk [tilespmem:v26+s24+$0x0], $0xffff  }
0x10a: {  	v34 =	vld.idx.msk [tilespmem:v28+s23+$0x0], $0xffff;
	v2 =	vadd.f32 v3, v2;
	v3 =	vmul.f32 v4, v27  }
0x10b: {  	v35 =	vor.u32 $0x14, v1;
	v4 =	vld.idx.msk [tilespmem:v28+s24+$0x0], $0xffff  }
0x10c: {  	v36 =	vld.idx.msk [tilespmem:v30+s23+$0x0], $0xffff;
	v2 =	vadd.f32 v3, v2;
	v3 =	vmul.f32 v5, v29  }
0x10d: {  	v37 =	vor.u32 $0x15, v1;
	v5 =	vld.idx.msk [tilespmem:v30+s24+$0x0], $0xffff  }
0x10e: {  	v38 =	vld.idx.msk [tilespmem:v33+s23+$0x0], $0xffff;
	v2 =	vadd.f32 v3, v2;
	v3 =	vmul.f32 v32, v31  }
0x10f: {  	v40 =	vor.u32 $0x16, v1;
	v39 =	vld.idx.msk [tilespmem:v33+s24+$0x0], $0xffff  }
0x110: {  	v41 =	vld.idx.msk [tilespmem:v35+s23+$0x0], $0xffff;
	v2 =	vadd.f32 v3, v2;
	v3 =	vmul.f32 v4, v34  }
0x111: {  	v42 =	vor.u32 $0x17, v1;
	v4 =	vld.idx.msk [tilespmem:v35+s24+$0x0], $0xffff  }
0x112: {  	v43 =	vld.idx.msk [tilespmem:v37+s23+$0x0], $0xffff;
	v2 =	vadd.f32 v3, v2;
	v3 =	vmul.f32 v5, v36  }
0x113: {  	v44 =	vor.u32 $0x18, v1;
	v5 =	vld.idx.msk [tilespmem:v37+s24+$0x0], $0xffff  }
0x114: {  	v46 =	vld.idx.msk [tilespmem:v40+s24+$0x0], $0xffff;
	v2 =	vadd.f32 v3, v2;
	v3 =	vmul.f32 v39, v38  }
0x115: {  	v45 =	vld.idx.msk [tilespmem:v40+s23+$0x0], $0xffff;
	v47 =	vor.u32 $0x19, v1  }
0x116: {  	v48 =	vld.idx.msk [tilespmem:v42+s23+$0x0], $0xffff;
	v2 =	vadd.f32 v3, v2;
	v3 =	vmul.f32 v4, v41  }
0x117: {  	v49 =	vor.u32 $0x1A, v1;
	v4 =	vld.idx.msk [tilespmem:v42+s24+$0x0], $0xffff  }
0x118: {  	v50 =	vld.idx.msk [tilespmem:v44+s23+$0x0], $0xffff;
	v2 =	vadd.f32 v3, v2;
	v3 =	vmul.f32 v5, v43  }
0x119: {  	v51 =	vor.u32 $0x1B, v1;
	v5 =	vld.idx.msk [tilespmem:v44+s24+$0x0], $0xffff  }
0x11a: {  	v52 =	vld.idx.msk [tilespmem:v47+s23+$0x0], $0xffff;
	v2 =	vadd.f32 v3, v2;
	v3 =	vmul.f32 v46, v45  }
0x11b: {  	v53 =	vld.idx.msk [tilespmem:v47+s24+$0x0], $0xffff;
	v54 =	vor.u32 $0x1C, v1  }
0x11c: {  	v55 =	vld.idx.msk [tilespmem:v49+s23+$0x0], $0xffff;
	v2 =	vadd.f32 v3, v2;
	v3 =	vmul.f32 v4, v48  }
0x11d: {  	v56 =	vor.u32 $0x1D, v1;
	v4 =	vld.idx.msk [tilespmem:v49+s24+$0x0], $0xffff  }
0x11e: {  	v57 =	vld.idx.msk [tilespmem:v51+s23+$0x0], $0xffff;
	v2 =	vadd.f32 v3, v2;
	v3 =	vmul.f32 v5, v50  }
0x11f: {  	v58 =	vor.u32 $0x1E, v1;
	v5 =	vld.idx.msk [tilespmem:v51+s24+$0x0], $0xffff  }
0x120: {  	v59 =	vld.idx.msk [tilespmem:v54+s23+$0x0], $0xffff;
	v2 =	vadd.f32 v3, v2;
	v3 =	vmul.f32 v53, v52  }
0x121: {  	v1 =	vor.u32 $0x1F, v1;
	v60 =	vld.idx.msk [tilespmem:v54+s24+$0x0], $0xffff  }
0x122: {  	v61 =	vld.idx.msk [tilespmem:v56+s23+$0x0], $0xffff;
	v2 =	vadd.f32 v3, v2;
	v3 =	vmul.f32 v4, v55  }
0x123: {  	v4 =	vld.idx.msk [tilespmem:v56+s24+$0x0], $0xffff  }
0x124: {  	v62 =	vld.idx.msk [tilespmem:v58+s23+$0x0], $0xffff;
	v2 =	vadd.f32 v3, v2;
	v3 =	vmul.f32 v5, v57  }
0x125: {  	v5 =	vld.idx.msk [tilespmem:v58+s24+$0x0], $0xffff  }
0x126: {  	v63 =	vld.idx.msk [tilespmem:v1+s23+$0x0], $0xffff;
	v2 =	vadd.f32 v3, v2;
	v3 =	vmul.f32 v60, v59  }
0x127: {  	v1 =	vld.idx.msk [tilespmem:v1+s24+$0x0], $0xffff  }
0x128: {  	v2 =	vadd.f32 v3, v2;
	v3 =	vmul.f32 v4, v61;
	_ =	sdelay $0x1  }
0x129: {  	v2 =	vadd.f32 v3, v2;
	v3 =	vmul.f32 v5, v62  }
0x12a: {  	s26 =	simm.s32 $0x20  }
0x12b: {  	v4 =	vmov s26;
	v2 =	vadd.f32 v3, v2;
	v3 =	vmul.f32 v1, v63  }
0x12c: {  	s28 =	simm.s32 $0x30;
	s26 =	simm.s32 $0x8400;
	v1 =	vshll.u32 v4, $0x5  }
.LBB2_2:
0x12d: {  	p0 =	sne.s32 s28, $0x1F0;
	v1 =	vor.u32 v0, v1;
	v2 =	vadd.f32 v3, v2;
	_ =	sdelay $0x1  }
0x12e: {  	v3 =	vor.u32 $0x1, v1;
	v2 =	vmul.f32 $5.000000000e+00, v2  }
0x12f: {  	s26 =	sadd.s32 $0x10, s26  }
0x130: {  	v4 =	vor.u32 $0x2, v1;
	[tilespmem:s26+$0x0] =	vst v2  }
0x131: {  	v2 =	vld.idx.msk [tilespmem:v1+s24+$0x0], $0xffff  }
0x132: {  	v6 =	vor.u32 $0x3, v1;
	v5 =	vld.idx.msk [tilespmem:v1+s23+$0x0], $0xffff  }
0x133: {  	v7 =	vld.idx.msk [tilespmem:v3+s23+$0x0], $0xffff  }
0x134: {  	v8 =	vor.u32 $0x4, v1;
	v3 =	vld.idx.msk [tilespmem:v3+s24+$0x0], $0xffff  }
0x135: {  	v9 =	vld.idx.msk [tilespmem:v4+s23+$0x0], $0xffff  }
0x136: {  	v10 =	vor.u32 $0x5, v1;
	v4 =	vld.idx.msk [tilespmem:v4+s24+$0x0], $0xffff  }
0x137: {  	v11 =	vld.idx.msk [tilespmem:v6+s23+$0x0], $0xffff  }
0x138: {  	v2 =	vmul.f32 v2, v5;
	v5 =	vld.idx.msk [tilespmem:v6+s24+$0x0], $0xffff;
	v6 =	vor.u32 $0x6, v1  }
0x139: {  	v12 =	vld.idx.msk [tilespmem:v8+s23+$0x0], $0xffff  }
0x13a: {  	v2 =	vadd.f32 $0.0e+00, v2;
	v3 =	vmul.f32 v3, v7;
	v7 =	vld.idx.msk [tilespmem:v8+s24+$0x0], $0xffff;
	v8 =	vor.u32 $0x7, v1  }
0x13b: {  	v13 =	vld.idx.msk [tilespmem:v10+s23+$0x0], $0xffff  }
0x13c: {  	v2 =	vadd.f32 v3, v2;
	v3 =	vmul.f32 v4, v9;
	v9 =	vor.u32 $0x8, v1;
	v4 =	vld.idx.msk [tilespmem:v10+s24+$0x0], $0xffff  }
0x13d: {  	v10 =	vld.idx.msk [tilespmem:v6+s23+$0x0], $0xffff  }
0x13e: {  	v2 =	vadd.f32 v3, v2;
	v3 =	vmul.f32 v5, v11;
	v5 =	vld.idx.msk [tilespmem:v6+s24+$0x0], $0xffff;
	v6 =	vor.u32 $0x9, v1  }
0x13f: {  	v11 =	vld.idx.msk [tilespmem:v8+s23+$0x0], $0xffff  }
0x140: {  	v2 =	vadd.f32 v3, v2;
	v3 =	vmul.f32 v7, v12;
	v7 =	vld.idx.msk [tilespmem:v8+s24+$0x0], $0xffff;
	v8 =	vor.u32 $0xA, v1  }
0x141: {  	v12 =	vld.idx.msk [tilespmem:v9+s23+$0x0], $0xffff  }
0x142: {  	v2 =	vadd.f32 v3, v2;
	v3 =	vmul.f32 v4, v13;
	v4 =	vld.idx.msk [tilespmem:v9+s24+$0x0], $0xffff;
	v9 =	vor.u32 $0xB, v1  }
0x143: {  	v13 =	vld.idx.msk [tilespmem:v6+s23+$0x0], $0xffff  }
0x144: {  	v2 =	vadd.f32 v3, v2;
	v3 =	vmul.f32 v5, v10;
	v5 =	vld.idx.msk [tilespmem:v6+s24+$0x0], $0xffff;
	v6 =	vor.u32 $0xC, v1  }
0x145: {  	v10 =	vld.idx.msk [tilespmem:v8+s23+$0x0], $0xffff  }
0x146: {  	v2 =	vadd.f32 v3, v2;
	v3 =	vmul.f32 v7, v11;
	v7 =	vld.idx.msk [tilespmem:v8+s24+$0x0], $0xffff;
	v8 =	vor.u32 $0xD, v1  }
0x147: {  	v11 =	vld.idx.msk [tilespmem:v9+s23+$0x0], $0xffff  }
0x148: {  	v2 =	vadd.f32 v3, v2;
	v3 =	vmul.f32 v4, v12;
	v4 =	vld.idx.msk [tilespmem:v9+s24+$0x0], $0xffff;
	v9 =	vor.u32 $0xE, v1  }
0x149: {  	v12 =	vld.idx.msk [tilespmem:v6+s23+$0x0], $0xffff  }
0x14a: {  	v2 =	vadd.f32 v3, v2;
	v3 =	vmul.f32 v5, v13;
	v5 =	vld.idx.msk [tilespmem:v6+s24+$0x0], $0xffff;
	v6 =	vor.u32 $0xF, v1  }
0x14b: {  	v13 =	vld.idx.msk [tilespmem:v8+s23+$0x0], $0xffff  }
0x14c: {  	v2 =	vadd.f32 v3, v2;
	v3 =	vmul.f32 v7, v10;
	v7 =	vld.idx.msk [tilespmem:v8+s24+$0x0], $0xffff;
	v8 =	vor.u32 $0x10, v1  }
0x14d: {  	v10 =	vld.idx.msk [tilespmem:v9+s23+$0x0], $0xffff  }
0x14e: {  	v2 =	vadd.f32 v3, v2;
	v3 =	vmul.f32 v4, v11;
	v4 =	vld.idx.msk [tilespmem:v9+s24+$0x0], $0xffff;
	v9 =	vor.u32 $0x11, v1  }
0x14f: {  	v11 =	vld.idx.msk [tilespmem:v6+s23+$0x0], $0xffff  }
0x150: {  	v2 =	vadd.f32 v3, v2;
	v3 =	vmul.f32 v5, v12;
	v5 =	vld.idx.msk [tilespmem:v6+s24+$0x0], $0xffff;
	v6 =	vor.u32 $0x12, v1  }
0x151: {  	v12 =	vld.idx.msk [tilespmem:v8+s23+$0x0], $0xffff  }
0x152: {  	v2 =	vadd.f32 v3, v2;
	v3 =	vmul.f32 v7, v13;
	v7 =	vld.idx.msk [tilespmem:v8+s24+$0x0], $0xffff;
	v8 =	vor.u32 $0x13, v1  }
0x153: {  	v13 =	vld.idx.msk [tilespmem:v9+s23+$0x0], $0xffff  }
0x154: {  	v2 =	vadd.f32 v3, v2;
	v3 =	vmul.f32 v4, v10;
	v4 =	vld.idx.msk [tilespmem:v9+s24+$0x0], $0xffff;
	v9 =	vor.u32 $0x14, v1  }
0x155: {  	v10 =	vld.idx.msk [tilespmem:v6+s23+$0x0], $0xffff  }
0x156: {  	v2 =	vadd.f32 v3, v2;
	v3 =	vmul.f32 v5, v11;
	v5 =	vld.idx.msk [tilespmem:v6+s24+$0x0], $0xffff;
	v6 =	vor.u32 $0x15, v1  }
0x157: {  	v11 =	vld.idx.msk [tilespmem:v8+s23+$0x0], $0xffff  }
0x158: {  	v2 =	vadd.f32 v3, v2;
	v3 =	vmul.f32 v7, v12;
	v7 =	vld.idx.msk [tilespmem:v8+s24+$0x0], $0xffff;
	v8 =	vor.u32 $0x16, v1  }
0x159: {  	v12 =	vld.idx.msk [tilespmem:v9+s23+$0x0], $0xffff  }
0x15a: {  	v2 =	vadd.f32 v3, v2;
	v3 =	vmul.f32 v4, v13;
	v4 =	vld.idx.msk [tilespmem:v9+s24+$0x0], $0xffff;
	v9 =	vor.u32 $0x17, v1  }
0x15b: {  	v13 =	vld.idx.msk [tilespmem:v6+s23+$0x0], $0xffff  }
0x15c: {  	v2 =	vadd.f32 v3, v2;
	v3 =	vmul.f32 v5, v10;
	v5 =	vld.idx.msk [tilespmem:v6+s24+$0x0], $0xffff;
	v6 =	vor.u32 $0x18, v1  }
0x15d: {  	v10 =	vld.idx.msk [tilespmem:v8+s23+$0x0], $0xffff  }
0x15e: {  	v2 =	vadd.f32 v3, v2;
	v3 =	vmul.f32 v7, v11;
	v7 =	vld.idx.msk [tilespmem:v8+s24+$0x0], $0xffff;
	v8 =	vor.u32 $0x19, v1  }
0x15f: {  	v11 =	vld.idx.msk [tilespmem:v9+s23+$0x0], $0xffff  }
0x160: {  	v2 =	vadd.f32 v3, v2;
	v3 =	vmul.f32 v4, v12;
	v4 =	vld.idx.msk [tilespmem:v9+s24+$0x0], $0xffff;
	v9 =	vor.u32 $0x1A, v1  }
0x161: {  	v12 =	vld.idx.msk [tilespmem:v6+s23+$0x0], $0xffff  }
0x162: {  	v2 =	vadd.f32 v3, v2;
	v3 =	vmul.f32 v5, v13;
	v5 =	vld.idx.msk [tilespmem:v6+s24+$0x0], $0xffff;
	v6 =	vor.u32 $0x1B, v1  }
0x163: {  	v13 =	vld.idx.msk [tilespmem:v8+s23+$0x0], $0xffff  }
0x164: {  	v2 =	vadd.f32 v3, v2;
	v3 =	vmul.f32 v7, v10;
	v7 =	vld.idx.msk [tilespmem:v8+s24+$0x0], $0xffff;
	v8 =	vor.u32 $0x1C, v1  }
0x165: {  	v10 =	vld.idx.msk [tilespmem:v9+s23+$0x0], $0xffff  }
0x166: {  	v2 =	vadd.f32 v3, v2;
	v3 =	vmul.f32 v4, v11;
	v4 =	vld.idx.msk [tilespmem:v9+s24+$0x0], $0xffff;
	v9 =	vor.u32 $0x1D, v1  }
0x167: {  	v11 =	vld.idx.msk [tilespmem:v6+s23+$0x0], $0xffff  }
0x168: {  	v2 =	vadd.f32 v3, v2;
	v3 =	vmul.f32 v5, v12;
	v5 =	vld.idx.msk [tilespmem:v6+s24+$0x0], $0xffff;
	v6 =	vor.u32 $0x1E, v1  }
0x169: {  	v12 =	vld.idx.msk [tilespmem:v8+s23+$0x0], $0xffff  }
0x16a: {  	v1 =	vor.u32 $0x1F, v1;
	v2 =	vadd.f32 v3, v2;
	v3 =	vmul.f32 v7, v13;
	v7 =	vld.idx.msk [tilespmem:v8+s24+$0x0], $0xffff  }
0x16b: {  	v8 =	vld.idx.msk [tilespmem:v9+s23+$0x0], $0xffff  }
0x16c: {  	v2 =	vadd.f32 v3, v2;
	v3 =	vmul.f32 v4, v10;
	v4 =	vld.idx.msk [tilespmem:v9+s24+$0x0], $0xffff  }
0x16d: {  	v9 =	vld.idx.msk [tilespmem:v6+s23+$0x0], $0xffff  }
0x16e: {  	v2 =	vadd.f32 v3, v2;
	v3 =	vmul.f32 v5, v11;
	v5 =	vld.idx.msk [tilespmem:v6+s24+$0x0], $0xffff  }
0x16f: {  	v6 =	vld.idx.msk [tilespmem:v1+s23+$0x0], $0xffff  }
0x170: {  	v2 =	vadd.f32 v3, v2;
	v3 =	vmul.f32 v7, v12;
	v1 =	vld.idx.msk [tilespmem:v1+s24+$0x0], $0xffff;
	_ =	sdelay $0x1  }
0x171: {  	v2 =	vadd.f32 v3, v2;
	v3 =	vmul.f32 v4, v8  }
.Ltmp0:
0x172: {  	(pc) =	sbr.rel @p0 .LBB2_2-.Ltmp0, $3  }
0x173: {  	v2 =	vadd.f32 v3, v2;
	v3 =	vmul.f32 v5, v9;
	_ =	sdelay $0x1  }
0x174: {  	v4 =	vmov s28;
	v2 =	vadd.f32 v3, v2;
	v3 =	vmul.f32 v1, v6  }
0x175: {  	s28 =	sadd.s32 $0x10, s28;
	v1 =	vshll.u32 v4, $0x5  }
0x176: {  	v1 =	vor.u32 v0, v1;
	v2 =	vadd.f32 v3, v2;
	_ =	sdelay $0x1  }
0x177: {  	v3 =	vor.u32 $0x1, v1;
	v2 =	vmul.f32 $5.000000000e+00, v2  }
0x178: {  	s26 =	sadd.s32 $0x10, s26  }
0x179: {  	v4 =	vor.u32 $0x2, v1;
	[tilespmem:s26+$0x0] =	vst v2  }
0x17a: {  	v2 =	vld.idx.msk [tilespmem:v1+s24+$0x0], $0xffff  }
0x17b: {  	v6 =	vor.u32 $0x3, v1;
	v5 =	vld.idx.msk [tilespmem:v1+s23+$0x0], $0xffff  }
0x17c: {  	v7 =	vld.idx.msk [tilespmem:v3+s23+$0x0], $0xffff  }
0x17d: {  	v8 =	vor.u32 $0x4, v1;
	v3 =	vld.idx.msk [tilespmem:v3+s24+$0x0], $0xffff  }
0x17e: {  	v9 =	vld.idx.msk [tilespmem:v4+s23+$0x0], $0xffff  }
0x17f: {  	v10 =	vor.u32 $0x5, v1;
	v4 =	vld.idx.msk [tilespmem:v4+s24+$0x0], $0xffff  }
0x180: {  	v11 =	vld.idx.msk [tilespmem:v6+s23+$0x0], $0xffff;
	v2 =	vmul.f32 v2, v5  }
0x181: {  	v34 =	vor.u32 $0x6, v1;
	v33 =	vld.idx.msk [tilespmem:v6+s24+$0x0], $0xffff  }
0x182: {  	v12 =	vld.idx.msk [tilespmem:v8+s23+$0x0], $0xffff;
	v3 =	vmul.f32 v3, v7;
	v2 =	vadd.f32 $0.0e+00, v2  }
0x183: {  	v36 =	vor.u32 $0x7, v1;
	v35 =	vld.idx.msk [tilespmem:v8+s24+$0x0], $0xffff  }
0x184: {  	v13 =	vld.idx.msk [tilespmem:v10+s23+$0x0], $0xffff;
	v2 =	vadd.f32 v3, v2;
	v3 =	vmul.f32 v4, v9  }
0x185: {  	v38 =	vor.u32 $0x8, v1;
	v37 =	vld.idx.msk [tilespmem:v10+s24+$0x0], $0xffff  }
0x186: {  	v39 =	vld.idx.msk [tilespmem:v34+s23+$0x0], $0xffff;
	v2 =	vadd.f32 v3, v2;
	v3 =	vmul.f32 v33, v11  }
0x187: {  	v41 =	vor.u32 $0x9, v1;
	v40 =	vld.idx.msk [tilespmem:v34+s24+$0x0], $0xffff  }
0x188: {  	v42 =	vld.idx.msk [tilespmem:v36+s23+$0x0], $0xffff;
	v2 =	vadd.f32 v3, v2;
	v3 =	vmul.f32 v35, v12  }
0x189: {  	v44 =	vor.u32 $0xA, v1;
	v43 =	vld.idx.msk [tilespmem:v36+s24+$0x0], $0xffff  }
0x18a: {  	v45 =	vld.idx.msk [tilespmem:v38+s23+$0x0], $0xffff;
	v2 =	vadd.f32 v3, v2;
	v3 =	vmul.f32 v37, v13  }
0x18b: {  	v47 =	vor.u32 $0xB, v1;
	v46 =	vld.idx.msk [tilespmem:v38+s24+$0x0], $0xffff  }
0x18c: {  	v48 =	vld.idx.msk [tilespmem:v41+s23+$0x0], $0xffff;
	v2 =	vadd.f32 v3, v2;
	v3 =	vmul.f32 v40, v39  }
0x18d: {  	v50 =	vor.u32 $0xC, v1;
	v49 =	vld.idx.msk [tilespmem:v41+s24+$0x0], $0xffff  }
0x18e: {  	v51 =	vld.idx.msk [tilespmem:v44+s23+$0x0], $0xffff;
	v2 =	vadd.f32 v3, v2;
	v3 =	vmul.f32 v43, v42  }
0x18f: {  	v53 =	vor.u32 $0xD, v1;
	v52 =	vld.idx.msk [tilespmem:v44+s24+$0x0], $0xffff  }
0x190: {  	v54 =	vld.idx.msk [tilespmem:v47+s23+$0x0], $0xffff;
	v2 =	vadd.f32 v3, v2;
	v3 =	vmul.f32 v46, v45  }
0x191: {  	v56 =	vor.u32 $0xE, v1;
	v55 =	vld.idx.msk [tilespmem:v47+s24+$0x0], $0xffff  }
0x192: {  	v57 =	vld.idx.msk [tilespmem:v50+s23+$0x0], $0xffff;
	v2 =	vadd.f32 v3, v2;
	v3 =	vmul.f32 v49, v48  }
0x193: {  	v59 =	vor.u32 $0xF, v1;
	v58 =	vld.idx.msk [tilespmem:v50+s24+$0x0], $0xffff  }
0x194: {  	v60 =	vld.idx.msk [tilespmem:v53+s23+$0x0], $0xffff;
	v2 =	vadd.f32 v3, v2;
	v3 =	vmul.f32 v52, v51  }
0x195: {  	v62 =	vor.u32 $0x10, v1;
	v61 =	vld.idx.msk [tilespmem:v53+s24+$0x0], $0xffff  }
0x196: {  	v63 =	vld.idx.msk [tilespmem:v56+s23+$0x0], $0xffff;
	v2 =	vadd.f32 v3, v2;
	v3 =	vmul.f32 v55, v54  }
0x197: {  	v17 =	vor.u32 $0x11, v1;
	v16 =	vld.idx.msk [tilespmem:v56+s24+$0x0], $0xffff  }
0x198: {  	v18 =	vld.idx.msk [tilespmem:v59+s23+$0x0], $0xffff;
	v2 =	vadd.f32 v3, v2;
	v3 =	vmul.f32 v58, v57  }
0x199: {  	v20 =	vor.u32 $0x12, v1;
	v19 =	vld.idx.msk [tilespmem:v59+s24+$0x0], $0xffff  }
0x19a: {  	v21 =	vld.idx.msk [tilespmem:v62+s23+$0x0], $0xffff;
	v2 =	vadd.f32 v3, v2;
	v3 =	vmul.f32 v61, v60  }
0x19b: {  	v23 =	vor.u32 $0x13, v1;
	v22 =	vld.idx.msk [tilespmem:v62+s24+$0x0], $0xffff  }
0x19c: {  	v24 =	vld.idx.msk [tilespmem:v17+s23+$0x0], $0xffff;
	v2 =	vadd.f32 v3, v2;
	v3 =	vmul.f32 v16, v63  }
0x19d: {  	v26 =	vor.u32 $0x14, v1;
	v25 =	vld.idx.msk [tilespmem:v17+s24+$0x0], $0xffff  }
0x19e: {  	v27 =	vld.idx.msk [tilespmem:v20+s23+$0x0], $0xffff;
	v2 =	vadd.f32 v3, v2;
	v3 =	vmul.f32 v19, v18  }
0x19f: {  	v29 =	vor.u32 $0x15, v1;
	v28 =	vld.idx.msk [tilespmem:v20+s24+$0x0], $0xffff  }
0x1a0: {  	v30 =	vld.idx.msk [tilespmem:v23+s23+$0x0], $0xffff;
	v2 =	vadd.f32 v3, v2;
	v3 =	vmul.f32 v22, v21  }
0x1a1: {  	v32 =	vor.u32 $0x16, v1;
	v31 =	vld.idx.msk [tilespmem:v23+s24+$0x0], $0xffff  }
0x1a2: {  	v34 =	vld.idx.msk [tilespmem:v26+s24+$0x0], $0xffff;
	v2 =	vadd.f32 v3, v2;
	v3 =	vmul.f32 v25, v24  }
0x1a3: {  	v33 =	vld.idx.msk [tilespmem:v26+s23+$0x0], $0xffff;
	v35 =	vor.u32 $0x17, v1  }
0x1a4: {  	v36 =	vld.idx.msk [tilespmem:v29+s23+$0x0], $0xffff;
	v2 =	vadd.f32 v3, v2;
	v3 =	vmul.f32 v28, v27  }
0x1a5: {  	v38 =	vor.u32 $0x18, v1;
	v37 =	vld.idx.msk [tilespmem:v29+s24+$0x0], $0xffff  }
0x1a6: {  	v39 =	vld.idx.msk [tilespmem:v32+s23+$0x0], $0xffff;
	v2 =	vadd.f32 v3, v2;
	v3 =	vmul.f32 v31, v30  }
0x1a7: {  	v41 =	vor.u32 $0x19, v1;
	v40 =	vld.idx.msk [tilespmem:v32+s24+$0x0], $0xffff  }
0x1a8: {  	v42 =	vld.idx.msk [tilespmem:v35+s23+$0x0], $0xffff;
	v2 =	vadd.f32 v3, v2;
	v3 =	vmul.f32 v34, v33  }
0x1a9: {  	v44 =	vor.u32 $0x1A, v1;
	v43 =	vld.idx.msk [tilespmem:v35+s24+$0x0], $0xffff  }
0x1aa: {  	v45 =	vld.idx.msk [tilespmem:v38+s23+$0x0], $0xffff;
	v2 =	vadd.f32 v3, v2;
	v3 =	vmul.f32 v37, v36  }
0x1ab: {  	v47 =	vor.u32 $0x1B, v1;
	v46 =	vld.idx.msk [tilespmem:v38+s24+$0x0], $0xffff  }
0x1ac: {  	v48 =	vld.idx.msk [tilespmem:v41+s23+$0x0], $0xffff;
	v2 =	vadd.f32 v3, v2;
	v3 =	vmul.f32 v40, v39  }
0x1ad: {  	v50 =	vor.u32 $0x1C, v1;
	v49 =	vld.idx.msk [tilespmem:v41+s24+$0x0], $0xffff  }
0x1ae: {  	v51 =	vld.idx.msk [tilespmem:v44+s23+$0x0], $0xffff;
	v2 =	vadd.f32 v3, v2;
	v3 =	vmul.f32 v43, v42  }
0x1af: {  	v53 =	vor.u32 $0x1D, v1;
	v52 =	vld.idx.msk [tilespmem:v44+s24+$0x0], $0xffff  }
0x1b0: {  	v54 =	vld.idx.msk [tilespmem:v47+s23+$0x0], $0xffff;
	v2 =	vadd.f32 v3, v2;
	v3 =	vmul.f32 v46, v45  }
0x1b1: {  	v56 =	vor.u32 $0x1E, v1;
	v55 =	vld.idx.msk [tilespmem:v47+s24+$0x0], $0xffff  }
0x1b2: {  	v57 =	vld.idx.msk [tilespmem:v50+s23+$0x0], $0xffff;
	v2 =	vadd.f32 v3, v2;
	v3 =	vmul.f32 v49, v48  }
0x1b3: {  	v1 =	vor.u32 $0x1F, v1;
	v58 =	vld.idx.msk [tilespmem:v50+s24+$0x0], $0xffff  }
0x1b4: {  	v59 =	vld.idx.msk [tilespmem:v53+s23+$0x0], $0xffff;
	v2 =	vadd.f32 v3, v2;
	v3 =	vmul.f32 v52, v51  }
0x1b5: {  	v60 =	vld.idx.msk [tilespmem:v53+s24+$0x0], $0xffff  }
0x1b6: {  	v62 =	vld.idx.msk [tilespmem:v56+s24+$0x0], $0xffff;
	v2 =	vadd.f32 v3, v2;
	v3 =	vmul.f32 v55, v54  }
0x1b7: {  	v61 =	vld.idx.msk [tilespmem:v56+s23+$0x0], $0xffff  }
0x1b8: {  	v63 =	vld.idx.msk [tilespmem:v1+s23+$0x0], $0xffff;
	v2 =	vadd.f32 v3, v2;
	v3 =	vmul.f32 v58, v57  }
0x1b9: {  	v1 =	vld.idx.msk [tilespmem:v1+s24+$0x0], $0xffff  }
0x1ba: {  	v2 =	vadd.f32 v3, v2;
	v3 =	vmul.f32 v60, v59;
	_ =	sdelay $0x1  }
0x1bb: {  	v2 =	vadd.f32 v3, v2;
	v3 =	vmul.f32 v62, v61;
	_ =	sdelay $0x1  }
0x1bc: {  	v1 =	vmul.f32 v1, v63;
	v2 =	vadd.f32 v3, v2;
	_ =	sdelay $0x1  }
0x1bd: {  	v1 =	vadd.f32 v1, v2;
	_ =	sdelay $0x1  }
0x1be: {  	s25 =	sadd.s32 $0x1, s25;
	v1 =	vmul.f32 $5.000000000e+00, v1  }
0x1bf: {  	p0 =	sne.s32 s25, s14;
	s26 =	sadd.s32 $0x10, s26  }
.Ltmp1:
0x1c0: {  	[tilespmem:s26+$0x0] =	vst v1;
	(pc) =	sbr.rel @p0 .LBB2_1-.Ltmp1, $4  }
0x1c1: {  	[hbm4b:s13+s1] =	stream.linear.scatter [tilespmem:s2], [sflag:$0x2], $0x200, $0x38;
	[tilespmem:$0x8600] =	vst v63  }
0x1c2: {  	_ =	swait.ge [sflag:s15], $0x200  }
0x1c3: {  	[sflag:s15] =	ssyncset.done $0x0  }
0x1c4: {  	[sflag:s15] =	ssyncadd.s32 $0xFFFFFE00  }
0x1c5: {  	_ =	sfence.sel $0x180000  }
0x1c6: {  	[bflag:$0x0] =	sbarrier.arrive $0xFFFF  }
0x1c7: {  	_ =	strace $0x90000047  }
0x1c8: {  	s0 =	stileid.u32;
	[bflag:$0x2] =	sbarrier.arrive $0xFFFF  }
0x1c9: {  	p0 =	sne.s32 s0, $0x0;
	s0 =	rddreg [dreg:$0x4]  }
0x1ca: {  	s0 =	sadd.s32 @!p0 $0x100000, s0  }
0x1cb: {  	[sflag:s0] =	ssyncadd.tile.s32 @!p0 $0x1;
	_ =	shalt  }
.Lfunc_end2:
_tile_overlayer_lowered:
.L_overlay_start_2:
0x1cc: {  	(tag) =	ssettag $0x2  }
0x1cd: {  	s0 =	rddreg [dreg:$0x0];
	s2 =	stileid.u32  }
0x1ce: {  	s1 =	rddreg [dreg:$0x1];
	p0 =	sne.s32 s2, $0x0  }
0x1cf: {  	s3 =	rddreg [dreg:$0x2];
	[bflag:$0x3] =	sbarrier.arrive $0xFFFF;
	s2 =	simm.s32 @!p0 $0x1C02  }
0x1d0: {  	[timem:s3], [sflag:s2] =	dma.local @!p0 [hbm:s0], s1  }
0x1d1: {  	s0 =	simm.s32 @!p0 $0x2  }
0x1d2: {  	_ =	swait.ge @!p0 [sflag:s0], s1  }
0x1d3: {  	s1 =	ssub.s32 @!p0 $0x0, s1;
	[sflag:s0] =	ssyncset.done @!p0 $0x0  }
0x1d4: {  	[sflag:s0] =	ssyncadd.s32 @!p0 s1  }
0x1d5: {  	[bflag:$0x3] =	sbarrier.arrive $0xFFFF  }
0x1d6: {  	_ =	shalt  }

</sc_bundles>
